<compile_context>
chip_gen: v7x
topology: tpu7x:2x2x1
jax: 0.10.2.dev20260603
libtpu: 0.0.44.dev20260713+nightly
codegen_flags: <defaults>
</compile_context>

<pallas_src>
import jax
import jax.numpy as jnp
from jax import lax
from jax.experimental import pallas as pl
from jax.experimental.pallas import tpu as pltpu
from jax.experimental.pallas import tpu_sc as plsc

L = 16
NC = 2
NS = 16
NW = NC * NS
B = 8
H = 224
W = 224
HW = H * W
TR = H // 8
UPW = 5
SC_ROWS = UPW * (NW // B) * 8
NROWVEC = W // L
NQ = 2

_LOG1P_COEF = (
    -0.006006605050865348, 0.03426459995555095, -0.09229041738055285,
    0.16499812983410006, -0.23943337074600235, 0.33144665224343317,
    -0.49982549864347925, 0.9999936302585147, 3.910905554960209e-08,
)


def _bce(x, t):
    e = jnp.exp(-jnp.abs(x))
    p = jnp.float32(_LOG1P_COEF[0])
    for c in _LOG1P_COEF[1:]:
        p = p * e + jnp.float32(c)
    return jnp.maximum(x, 0.0) - x * t + p


def _sc_body(pred_hbm, target_hbm, out_hbm, buf, stage, sem):
    wid = lax.axis_index("s") * NC + lax.axis_index("c")
    u0 = wid * UPW
    ups = UPW * (NW // B)
    smp = u0 // ups
    row_base = (u0 - smp * ups) * 8
    zero = jnp.zeros((L,), jnp.float32)

    def issue(k):
        slot = lax.rem(k, 2)
        r0 = row_base + k * 8
        pltpu.async_copy(
            pred_hbm.at[smp, 2, pl.ds(r0, 8), :],
            buf.at[slot, 0], sem.at[slot])
        pltpu.async_copy(
            target_hbm.at[smp, 0, pl.ds(r0, 8), :],
            buf.at[slot, 1], sem.at[slot])
        pltpu.async_copy(
            target_hbm.at[smp, 2, pl.ds(r0, 8), :],
            buf.at[slot, 2], sem.at[slot])

    issue(0)
    issue(1)

    def unit(k, carry):
        slot = lax.rem(k, 2)
        for d in range(3):
            pltpu.make_async_copy(
                pred_hbm.at[smp, 2, pl.ds(0, 8), :],
                buf.at[slot, d], sem.at[slot]).wait()

        @pl.when(k + 2 < UPW)
        def _():
            issue(k + 2)

        def row_step(r, carry):
            def step(j, carry, r=r):
                acc_t2, acc_c = carry
                for h in range(2):
                    o = (j * 2 + h) * L
                    p2 = buf[slot, 0, r, pl.ds(o, L)]
                    t0 = buf[slot, 1, r, pl.ds(o, L)]
                    t2 = buf[slot, 2, r, pl.ds(o, L)]
                    tc = t2 - t2 * t0
                    acc_t2 = acc_t2 + t2
                    acc_c = acc_c + _bce(p2, tc)
                return acc_t2, acc_c

            return lax.fori_loop(0, NROWVEC // 2, step, carry)

        return lax.fori_loop(0, 8, row_step, carry)

    accs = lax.fori_loop(0, UPW, unit, (zero, zero))

    for q in range(NQ):
        stage[q] = accs[q]
    pltpu.sync_copy(stage, out_hbm.at[wid])


def _dense_body(p_ref, t_ref, o_ref, tail_ref):
    i = pl.program_id(0)
    p0 = p_ref[0, 0]
    p1 = p_ref[0, 1]
    t0 = t_ref[0, 0]
    t1 = t_ref[0, 1]
    t2 = t_ref[0, 2]

    def bce(x, t):
        return jnp.maximum(x, 0.0) - x * t + jnp.log1p(jnp.exp(-jnp.abs(x)))

    roi = 1.0 - (t2 - t2 * t0) * (1.0 - t1)
    wm = jnp.where(roi != 0.0, 1.0, 0.0)

    @pl.when(i == 0)
    def _():
        o_ref[0, 0] = 0.0
        o_ref[0, 1] = 0.0
        o_ref[0, 2] = 0.0

    o_ref[0, 0] += jnp.sum(bce(p0, t0))
    o_ref[0, 1] += jnp.sum(bce(p1, t1) * wm)
    o_ref[0, 2] += jnp.sum(wm)

    p2t = p_ref[0, 2, SC_ROWS:, :]
    t0t = t0[SC_ROWS:, :]
    t2t = t2[SC_ROWS:, :]
    tct = t2t - t2t * t0t
    tail_ref[...] = jnp.reshape(
        jnp.stack([jnp.sum(t2t), jnp.sum(bce(p2t, tct))]), (1, 1, 2))


def _combine_body(part_ref, dense_ref, tail_ref, o_ref):
    x = part_ref[...]
    t = jnp.sum(jnp.sum(x, axis=1), axis=-1) + tail_ref[...][:, 0, :]
    li = lax.broadcasted_iota(jnp.int32, (B, NQ), 1)
    sel = t[:, :1] != 0.0
    zero = jnp.zeros_like(t)
    cnum = jnp.sum(jnp.where((li == 1) & sel, t, zero))
    cden = jnp.sum(jnp.where((li == 1) & sel, jnp.float32(HW), zero))
    centroid = jnp.where(cden > 0.0, cnum / jnp.maximum(cden, 1.0), 0.0)
    tissue = dense_ref[0, 0] / jnp.float32(B * HW)
    wsum = dense_ref[0, 1]
    wden = dense_ref[0, 2]
    whole = jnp.where(wden > 0.0, wsum / jnp.maximum(wden, 1.0), 0.0)
    o_ref[0, 0] = whole + centroid + tissue


@jax.jit
def kernel(pred, target):
    mesh = plsc.VectorSubcoreMesh(core_axis_name="c", subcore_axis_name="s",
                                  num_cores=NC, num_subcores=NS)
    partials = pl.kernel(
        _sc_body,
        out_type=jax.ShapeDtypeStruct((NW, NQ, L), jnp.float32),
        mesh=mesh,
        scratch_types=[
            pltpu.VMEM((2, 3, 8, W), jnp.float32),
            pltpu.VMEM((NQ, L), jnp.float32),
            pltpu.SemaphoreType.DMA((2,)),
        ],
        compiler_params=pltpu.CompilerParams(use_tc_tiling_on_sc=True),
    )(pred, target)
    dense, tails = pl.pallas_call(
        _dense_body,
        grid=(B,),
        in_specs=[
            pl.BlockSpec((1, 3, H, W), lambda i: (i, 0, 0, 0)),
            pl.BlockSpec((1, 3, H, W), lambda i: (i, 0, 0, 0)),
        ],
        out_specs=[
            pl.BlockSpec((1, 3), lambda i: (0, 0), memory_space=pltpu.SMEM),
            pl.BlockSpec((1, 1, 2), lambda i: (i, 0, 0)),
        ],
        out_shape=[
            jax.ShapeDtypeStruct((1, 3), jnp.float32),
            jax.ShapeDtypeStruct((B, 1, 2), jnp.float32),
        ],
    )(pred, target)
    out = pl.pallas_call(
        _combine_body,
        in_specs=[
            pl.BlockSpec((B, NW // B, NQ, L), lambda: (0, 0, 0, 0)),
            pl.BlockSpec(memory_space=pltpu.SMEM),
            pl.BlockSpec((B, 1, 2), lambda: (0, 0, 0)),
        ],
        out_specs=pl.BlockSpec(memory_space=pltpu.SMEM),
        out_shape=jax.ShapeDtypeStruct((1, 1), jnp.float32),
    )(partials.reshape(B, NW // B, NQ, L), dense, tails)
    return out[0, 0]

# --- scband reference (transcript-rebuilt; emitter-appended) ---
"""Pipeline reference for scband-whether-centroid-presented-bce-50903952392792 (READ-ONLY COPY).

The authoritative reference and input builder live on the scoring server;
editing this copy changes nothing except your own understanding.
"""

import jax, jax.numpy as jnp
import numpy as np


def bce_logits(x, t):
    # numerically-stable binary cross entropy with logits (matches torch BCEWithLogitsLoss elementwise)
    return jnp.maximum(x, 0.0) - x * t + jnp.log1p(jnp.exp(-jnp.abs(x)))


def setup_inputs(seed: int = 0) -> dict:
    key = jax.random.key(seed)
    k1, k2 = jax.random.split(key)
    pred = jax.random.normal(k1, (8, 3, 224, 224), dtype=jnp.float32)
    target = jax.random.randint(k2, (8, 3, 224, 224), 0, 2).astype(jnp.float32)
    return {"pred": pred, "target": target}


def reference(pred, target):
    B = target.shape[0]
    C = target.shape[1]
    # centroid branch: select samples whose last channel has any nonzero
    mask = target[:, -1].reshape(B, -1).sum(axis=1)
    sample_sel = (mask != 0).astype(pred.dtype)  # [B]
    _t = target[:, -1:] - target[:, -1:] * target[:, :1]
    _p = pred[:, -1:]
    elem_c = bce_logits(_p, _t)  # [B,1,H,W]
    w_c = sample_sel[:, None, None, None] * jnp.ones_like(elem_c)
    denom_c = jnp.sum(w_c)
    centroid_loss = jnp.where(denom_c > 0, jnp.sum(elem_c * w_c) / jnp.maximum(denom_c, 1.0), 0.0)
    # tissue loss over channel 0
    tissue_loss = jnp.mean(bce_logits(pred[:, :1], target[:, :1]))
    # whole loss over ROI-selected pixels of channel 1
    t3 = target.reshape(B, C, -1)
    p3 = pred.reshape(B, pred.shape[1], -1)
    roi = 1.0 - (t3[:, -1] - t3[:, -1] * t3[:, 0]) * (1.0 - t3[:, 1])
    sel = (roi.reshape(-1) != 0).astype(pred.dtype)
    tw = t3[:, 1].reshape(-1)
    pw = p3[:, 1].reshape(-1)
    elem_w = bce_logits(pw, tw)
    denom_w = jnp.sum(sel)
    whole_loss = jnp.where(denom_w > 0, jnp.sum(elem_w * sel) / jnp.maximum(denom_w, 1.0), 0.0)
    return whole_loss + centroid_loss + tissue_loss

if __name__ == "__main__":
    import jax
    _d = setup_inputs()
    print(jax.jit(kernel)(*tuple(_d.values())))

</pallas_src>

<mosaic_0001>
#map = affine_map<(d0, d1) -> (0, 0, 0, 0)>
#map1 = affine_map<(d0, d1) -> (0, 0, 0)>
module attributes {stable_mosaic.version = 14 : i64} {
  func.func @_sc_body(%arg0: i32, %arg1: i32, %arg2: memref<8x3x224x224xf32, #tpu.memory_space<hbm>>, %arg3: memref<8x3x224x224xf32, #tpu.memory_space<hbm>>, %arg4: memref<32x2x16xf32, #tpu.memory_space<hbm>>, %arg5: memref<2x3x8x224xf32, #tpu.memory_space<vmem>>, %arg6: memref<2x16xf32, #tpu.memory_space<vmem>>, %arg7: memref<2x!tpu.dma_semaphore, #tpu.memory_space<semaphore_mem>>) attributes {dimension_semantics = [#tpu.dimension_semantics<core_parallel>, #tpu.dimension_semantics<subcore_parallel>], iteration_bounds = array<i64: 2, 16>, scalar_prefetch = 0 : i64, scratch_operands = 3 : i64, tpu.core_type = #tpu.core_type<sc_vector_subcore>, window_params = [{transform_indices = #map}, {transform_indices = #map}, {transform_indices = #map1}]} {
    %mul3A = arith.constant 2 : i32
    %mul3A_0 = arith.muli %arg1, %mul3A : i32
    %add3A = arith.addi %mul3A_0, %arg0 : i32
    %mul3A_1 = arith.constant 5 : i32
    %mul3A_2 = arith.muli %add3A, %mul3A_1 : i32
    %jit3A = arith.constant 20 : i32
    %div3A = arith.divsi %mul3A_2, %jit3A : i32
    %sign3A = arith.constant 0 : i32
    %sign3A_3 = arith.cmpi sgt, %mul3A_2, %sign3A : i32
    %sign3A_4 = arith.extui %sign3A_3 : i1 to i32
    %sign3A_5 = arith.constant 0 : i32
    %sign3A_6 = arith.cmpi slt, %mul3A_2, %sign3A_5 : i32
    %sign3A_7 = arith.extui %sign3A_6 : i1 to i32
    %sign3A_8 = arith.subi %sign3A_4, %sign3A_7 : i32
    %sign3A_9 = arith.constant 0 : i32
    %sign3A_10 = arith.cmpi sgt, %jit3A, %sign3A_9 : i32
    %sign3A_11 = arith.extui %sign3A_10 : i1 to i32
    %sign3A_12 = arith.constant 0 : i32
    %sign3A_13 = arith.cmpi slt, %jit3A, %sign3A_12 : i32
    %sign3A_14 = arith.extui %sign3A_13 : i1 to i32
    %sign3A_15 = arith.subi %sign3A_11, %sign3A_14 : i32
    %ne3A = arith.cmpi ne, %sign3A_8, %sign3A_15 : i32
    %rem3A = arith.remsi %mul3A_2, %jit3A : i32
    %ne3A_16 = arith.constant 0 : i32
    %ne3A_17 = arith.cmpi ne, %rem3A, %ne3A_16 : i32
    %and3A = arith.andi %ne3A, %ne3A_17 : i1
    %sub3A = arith.constant 1 : i32
    %sub3A_18 = arith.subi %div3A, %sub3A : i32
    %select_n3A = arith.select %and3A, %sub3A_18, %div3A : i32
    %mul3A_19 = arith.constant 20 : i32
    %mul3A_20 = arith.muli %select_n3A, %mul3A_19 : i32
    %sub3A_21 = arith.subi %mul3A_2, %mul3A_20 : i32
    %mul3A_22 = arith.constant 8 : i32
    %mul3A_23 = arith.muli %sub3A_21, %mul3A_22 : i32
    %broadcast_in_dim3A = arith.constant 0.000000e+00 : f32
    %broadcast_in_dim3A_24 = vector.broadcast %broadcast_in_dim3A : f32 to vector<16xf32>
    %rem3A_25 = arith.constant 0 : i32
    %rem3A_26 = arith.constant 2 : i32
    %rem3A_27 = arith.remsi %rem3A_25, %rem3A_26 : i32
    %add3A_28 = arith.constant 0 : i32
    %add3A_29 = arith.addi %mul3A_23, %add3A_28 : i32
    %dma_start3A = arith.constant 2 : i32
    %dma_start3A_30 = arith.constant 0 : i32
    %dma_start3A_31 = arith.constant 0 : i32
    %dma_start3A_32 = arith.constant 0 : i32
    %dma_start3A_33 = tpu.memref_slice %arg5[%rem3A_27, %dma_start3A_30, %dma_start3A_31, %dma_start3A_32] : memref<2x3x8x224xf32, #tpu.memory_space<vmem>> -> memref<1x1x8x224xf32, #tpu.memory_space<vmem>>
    %dma_start3A_34 = tpu.memref_squeeze %dma_start3A_33 : memref<1x1x8x224xf32, #tpu.memory_space<vmem>> -> memref<8x224xf32, #tpu.memory_space<vmem>>
    %dma_start3A_35 = arith.constant 0 : i32
    %dma_start3A_36 = tpu.memref_slice %arg2[%select_n3A, %dma_start3A, %add3A_29, %dma_start3A_35] : memref<8x3x224x224xf32, #tpu.memory_space<hbm>> -> memref<1x1x8x224xf32, #tpu.memory_space<hbm>>
    %dma_start3A_37 = tpu.memref_squeeze %dma_start3A_36 : memref<1x1x8x224xf32, #tpu.memory_space<hbm>> -> memref<8x224xf32, #tpu.memory_space<hbm>>
    %dma_start3A_38 = tpu.memref_slice %arg7[%rem3A_27] : memref<2x!tpu.dma_semaphore, #tpu.memory_space<semaphore_mem>> -> memref<1x!tpu.dma_semaphore, #tpu.memory_space<semaphore_mem>>
    %dma_start3A_39 = tpu.memref_squeeze %dma_start3A_38 : memref<1x!tpu.dma_semaphore, #tpu.memory_space<semaphore_mem>> -> memref<!tpu.dma_semaphore, #tpu.memory_space<semaphore_mem>>
    %dma_start3A_40 = arith.constant 0 : i32
    %dma_start3A_41 = arith.constant 0 : i32
    %dma_start3A_42 = tpu.memref_slice %arg5[%rem3A_27, %dma_start3A_30, %dma_start3A_40, %dma_start3A_41] : memref<2x3x8x224xf32, #tpu.memory_space<vmem>> -> memref<1x1x8x224xf32, #tpu.memory_space<vmem>>
    %dma_start3A_43 = tpu.memref_squeeze %dma_start3A_42 : memref<1x1x8x224xf32, #tpu.memory_space<vmem>> -> memref<8x224xf32, #tpu.memory_space<vmem>>
    %dma_start3A_44 = arith.constant 0 : i32
    %dma_start3A_45 = tpu.memref_slice %arg2[%select_n3A, %dma_start3A, %add3A_29, %dma_start3A_44] : memref<8x3x224x224xf32, #tpu.memory_space<hbm>> -> memref<1x1x8x224xf32, #tpu.memory_space<hbm>>
    %dma_start3A_46 = tpu.memref_squeeze %dma_start3A_45 : memref<1x1x8x224xf32, #tpu.memory_space<hbm>> -> memref<8x224xf32, #tpu.memory_space<hbm>>
    tpu.enqueue_dma source(%dma_start3A_46 : memref<8x224xf32, #tpu.memory_space<hbm>>) target(%dma_start3A_43 : memref<8x224xf32, #tpu.memory_space<vmem>>) target_semaphore(%dma_start3A_39 : memref<!tpu.dma_semaphore, #tpu.memory_space<semaphore_mem>>)
    %dma_start3A_47 = arith.constant 0 : i32
    %dma_start3A_48 = arith.constant 1 : i32
    %dma_start3A_49 = arith.constant 0 : i32
    %dma_start3A_50 = arith.constant 0 : i32
    %dma_start3A_51 = tpu.memref_slice %arg5[%rem3A_27, %dma_start3A_48, %dma_start3A_49, %dma_start3A_50] : memref<2x3x8x224xf32, #tpu.memory_space<vmem>> -> memref<1x1x8x224xf32, #tpu.memory_space<vmem>>
    %dma_start3A_52 = tpu.memref_squeeze %dma_start3A_51 : memref<1x1x8x224xf32, #tpu.memory_space<vmem>> -> memref<8x224xf32, #tpu.memory_space<vmem>>
    %dma_start3A_53 = arith.constant 0 : i32
    %dma_start3A_54 = tpu.memref_slice %arg3[%select_n3A, %dma_start3A_47, %add3A_29, %dma_start3A_53] : memref<8x3x224x224xf32, #tpu.memory_space<hbm>> -> memref<1x1x8x224xf32, #tpu.memory_space<hbm>>
    %dma_start3A_55 = tpu.memref_squeeze %dma_start3A_54 : memref<1x1x8x224xf32, #tpu.memory_space<hbm>> -> memref<8x224xf32, #tpu.memory_space<hbm>>
    %dma_start3A_56 = tpu.memref_slice %arg7[%rem3A_27] : memref<2x!tpu.dma_semaphore, #tpu.memory_space<semaphore_mem>> -> memref<1x!tpu.dma_semaphore, #tpu.memory_space<semaphore_mem>>
    %dma_start3A_57 = tpu.memref_squeeze %dma_start3A_56 : memref<1x!tpu.dma_semaphore, #tpu.memory_space<semaphore_mem>> -> memref<!tpu.dma_semaphore, #tpu.memory_space<semaphore_mem>>
    %dma_start3A_58 = arith.constant 0 : i32
    %dma_start3A_59 = arith.constant 0 : i32
    %dma_start3A_60 = tpu.memref_slice %arg5[%rem3A_27, %dma_start3A_48, %dma_start3A_58, %dma_start3A_59] : memref<2x3x8x224xf32, #tpu.memory_space<vmem>> -> memref<1x1x8x224xf32, #tpu.memory_space<vmem>>
    %dma_start3A_61 = tpu.memref_squeeze %dma_start3A_60 : memref<1x1x8x224xf32, #tpu.memory_space<vmem>> -> memref<8x224xf32, #tpu.memory_space<vmem>>
    %dma_start3A_62 = arith.constant 0 : i32
    %dma_start3A_63 = tpu.memref_slice %arg3[%select_n3A, %dma_start3A_47, %add3A_29, %dma_start3A_62] : memref<8x3x224x224xf32, #tpu.memory_space<hbm>> -> memref<1x1x8x224xf32, #tpu.memory_space<hbm>>
    %dma_start3A_64 = tpu.memref_squeeze %dma_start3A_63 : memref<1x1x8x224xf32, #tpu.memory_space<hbm>> -> memref<8x224xf32, #tpu.memory_space<hbm>>
    tpu.enqueue_dma source(%dma_start3A_64 : memref<8x224xf32, #tpu.memory_space<hbm>>) target(%dma_start3A_61 : memref<8x224xf32, #tpu.memory_space<vmem>>) target_semaphore(%dma_start3A_57 : memref<!tpu.dma_semaphore, #tpu.memory_space<semaphore_mem>>)
    %dma_start3A_65 = arith.constant 2 : i32
    %dma_start3A_66 = arith.constant 2 : i32
    %dma_start3A_67 = arith.constant 0 : i32
    %dma_start3A_68 = arith.constant 0 : i32
    %dma_start3A_69 = tpu.memref_slice %arg5[%rem3A_27, %dma_start3A_66, %dma_start3A_67, %dma_start3A_68] : memref<2x3x8x224xf32, #tpu.memory_space<vmem>> -> memref<1x1x8x224xf32, #tpu.memory_space<vmem>>
    %dma_start3A_70 = tpu.memref_squeeze %dma_start3A_69 : memref<1x1x8x224xf32, #tpu.memory_space<vmem>> -> memref<8x224xf32, #tpu.memory_space<vmem>>
    %dma_start3A_71 = arith.constant 0 : i32
    %dma_start3A_72 = tpu.memref_slice %arg3[%select_n3A, %dma_start3A_65, %add3A_29, %dma_start3A_71] : memref<8x3x224x224xf32, #tpu.memory_space<hbm>> -> memref<1x1x8x224xf32, #tpu.memory_space<hbm>>
    %dma_start3A_73 = tpu.memref_squeeze %dma_start3A_72 : memref<1x1x8x224xf32, #tpu.memory_space<hbm>> -> memref<8x224xf32, #tpu.memory_space<hbm>>
    %dma_start3A_74 = tpu.memref_slice %arg7[%rem3A_27] : memref<2x!tpu.dma_semaphore, #tpu.memory_space<semaphore_mem>> -> memref<1x!tpu.dma_semaphore, #tpu.memory_space<semaphore_mem>>
    %dma_start3A_75 = tpu.memref_squeeze %dma_start3A_74 : memref<1x!tpu.dma_semaphore, #tpu.memory_space<semaphore_mem>> -> memref<!tpu.dma_semaphore, #tpu.memory_space<semaphore_mem>>
    %dma_start3A_76 = arith.constant 0 : i32
    %dma_start3A_77 = arith.constant 0 : i32
    %dma_start3A_78 = tpu.memref_slice %arg5[%rem3A_27, %dma_start3A_66, %dma_start3A_76, %dma_start3A_77] : memref<2x3x8x224xf32, #tpu.memory_space<vmem>> -> memref<1x1x8x224xf32, #tpu.memory_space<vmem>>
    %dma_start3A_79 = tpu.memref_squeeze %dma_start3A_78 : memref<1x1x8x224xf32, #tpu.memory_space<vmem>> -> memref<8x224xf32, #tpu.memory_space<vmem>>
    %dma_start3A_80 = arith.constant 0 : i32
    %dma_start3A_81 = tpu.memref_slice %arg3[%select_n3A, %dma_start3A_65, %add3A_29, %dma_start3A_80] : memref<8x3x224x224xf32, #tpu.memory_space<hbm>> -> memref<1x1x8x224xf32, #tpu.memory_space<hbm>>
    %dma_start3A_82 = tpu.memref_squeeze %dma_start3A_81 : memref<1x1x8x224xf32, #tpu.memory_space<hbm>> -> memref<8x224xf32, #tpu.memory_space<hbm>>
    tpu.enqueue_dma source(%dma_start3A_82 : memref<8x224xf32, #tpu.memory_space<hbm>>) target(%dma_start3A_79 : memref<8x224xf32, #tpu.memory_space<vmem>>) target_semaphore(%dma_start3A_75 : memref<!tpu.dma_semaphore, #tpu.memory_space<semaphore_mem>>)
    %rem3A_83 = arith.constant 1 : i32
    %rem3A_84 = arith.constant 2 : i32
    %rem3A_85 = arith.remsi %rem3A_83, %rem3A_84 : i32
    %add3A_86 = arith.constant 8 : i32
    %add3A_87 = arith.addi %mul3A_23, %add3A_86 : i32
    %dma_start3A_88 = arith.constant 2 : i32
    %dma_start3A_89 = arith.constant 0 : i32
    %dma_start3A_90 = arith.constant 0 : i32
    %dma_start3A_91 = arith.constant 0 : i32
    %dma_start3A_92 = tpu.memref_slice %arg5[%rem3A_85, %dma_start3A_89, %dma_start3A_90, %dma_start3A_91] : memref<2x3x8x224xf32, #tpu.memory_space<vmem>> -> memref<1x1x8x224xf32, #tpu.memory_space<vmem>>
    %dma_start3A_93 = tpu.memref_squeeze %dma_start3A_92 : memref<1x1x8x224xf32, #tpu.memory_space<vmem>> -> memref<8x224xf32, #tpu.memory_space<vmem>>
    %dma_start3A_94 = arith.constant 0 : i32
    %dma_start3A_95 = tpu.memref_slice %arg2[%select_n3A, %dma_start3A_88, %add3A_87, %dma_start3A_94] : memref<8x3x224x224xf32, #tpu.memory_space<hbm>> -> memref<1x1x8x224xf32, #tpu.memory_space<hbm>>
    %dma_start3A_96 = tpu.memref_squeeze %dma_start3A_95 : memref<1x1x8x224xf32, #tpu.memory_space<hbm>> -> memref<8x224xf32, #tpu.memory_space<hbm>>
    %dma_start3A_97 = tpu.memref_slice %arg7[%rem3A_85] : memref<2x!tpu.dma_semaphore, #tpu.memory_space<semaphore_mem>> -> memref<1x!tpu.dma_semaphore, #tpu.memory_space<semaphore_mem>>
    %dma_start3A_98 = tpu.memref_squeeze %dma_start3A_97 : memref<1x!tpu.dma_semaphore, #tpu.memory_space<semaphore_mem>> -> memref<!tpu.dma_semaphore, #tpu.memory_space<semaphore_mem>>
    %dma_start3A_99 = arith.constant 0 : i32
    %dma_start3A_100 = arith.constant 0 : i32
    %dma_start3A_101 = tpu.memref_slice %arg5[%rem3A_85, %dma_start3A_89, %dma_start3A_99, %dma_start3A_100] : memref<2x3x8x224xf32, #tpu.memory_space<vmem>> -> memref<1x1x8x224xf32, #tpu.memory_space<vmem>>
    %dma_start3A_102 = tpu.memref_squeeze %dma_start3A_101 : memref<1x1x8x224xf32, #tpu.memory_space<vmem>> -> memref<8x224xf32, #tpu.memory_space<vmem>>
    %dma_start3A_103 = arith.constant 0 : i32
    %dma_start3A_104 = tpu.memref_slice %arg2[%select_n3A, %dma_start3A_88, %add3A_87, %dma_start3A_103] : memref<8x3x224x224xf32, #tpu.memory_space<hbm>> -> memref<1x1x8x224xf32, #tpu.memory_space<hbm>>
    %dma_start3A_105 = tpu.memref_squeeze %dma_start3A_104 : memref<1x1x8x224xf32, #tpu.memory_space<hbm>> -> memref<8x224xf32, #tpu.memory_space<hbm>>
    tpu.enqueue_dma source(%dma_start3A_105 : memref<8x224xf32, #tpu.memory_space<hbm>>) target(%dma_start3A_102 : memref<8x224xf32, #tpu.memory_space<vmem>>) target_semaphore(%dma_start3A_98 : memref<!tpu.dma_semaphore, #tpu.memory_space<semaphore_mem>>)
    %dma_start3A_106 = arith.constant 0 : i32
    %dma_start3A_107 = arith.constant 1 : i32
    %dma_start3A_108 = arith.constant 0 : i32
    %dma_start3A_109 = arith.constant 0 : i32
    %dma_start3A_110 = tpu.memref_slice %arg5[%rem3A_85, %dma_start3A_107, %dma_start3A_108, %dma_start3A_109] : memref<2x3x8x224xf32, #tpu.memory_space<vmem>> -> memref<1x1x8x224xf32, #tpu.memory_space<vmem>>
    %dma_start3A_111 = tpu.memref_squeeze %dma_start3A_110 : memref<1x1x8x224xf32, #tpu.memory_space<vmem>> -> memref<8x224xf32, #tpu.memory_space<vmem>>
    %dma_start3A_112 = arith.constant 0 : i32
    %dma_start3A_113 = tpu.memref_slice %arg3[%select_n3A, %dma_start3A_106, %add3A_87, %dma_start3A_112] : memref<8x3x224x224xf32, #tpu.memory_space<hbm>> -> memref<1x1x8x224xf32, #tpu.memory_space<hbm>>
    %dma_start3A_114 = tpu.memref_squeeze %dma_start3A_113 : memref<1x1x8x224xf32, #tpu.memory_space<hbm>> -> memref<8x224xf32, #tpu.memory_space<hbm>>
    %dma_start3A_115 = tpu.memref_slice %arg7[%rem3A_85] : memref<2x!tpu.dma_semaphore, #tpu.memory_space<semaphore_mem>> -> memref<1x!tpu.dma_semaphore, #tpu.memory_space<semaphore_mem>>
    %dma_start3A_116 = tpu.memref_squeeze %dma_start3A_115 : memref<1x!tpu.dma_semaphore, #tpu.memory_space<semaphore_mem>> -> memref<!tpu.dma_semaphore, #tpu.memory_space<semaphore_mem>>
    %dma_start3A_117 = arith.constant 0 : i32
    %dma_start3A_118 = arith.constant 0 : i32
    %dma_start3A_119 = tpu.memref_slice %arg5[%rem3A_85, %dma_start3A_107, %dma_start3A_117, %dma_start3A_118] : memref<2x3x8x224xf32, #tpu.memory_space<vmem>> -> memref<1x1x8x224xf32, #tpu.memory_space<vmem>>
    %dma_start3A_120 = tpu.memref_squeeze %dma_start3A_119 : memref<1x1x8x224xf32, #tpu.memory_space<vmem>> -> memref<8x224xf32, #tpu.memory_space<vmem>>
    %dma_start3A_121 = arith.constant 0 : i32
    %dma_start3A_122 = tpu.memref_slice %arg3[%select_n3A, %dma_start3A_106, %add3A_87, %dma_start3A_121] : memref<8x3x224x224xf32, #tpu.memory_space<hbm>> -> memref<1x1x8x224xf32, #tpu.memory_space<hbm>>
    %dma_start3A_123 = tpu.memref_squeeze %dma_start3A_122 : memref<1x1x8x224xf32, #tpu.memory_space<hbm>> -> memref<8x224xf32, #tpu.memory_space<hbm>>
    tpu.enqueue_dma source(%dma_start3A_123 : memref<8x224xf32, #tpu.memory_space<hbm>>) target(%dma_start3A_120 : memref<8x224xf32, #tpu.memory_space<vmem>>) target_semaphore(%dma_start3A_116 : memref<!tpu.dma_semaphore, #tpu.memory_space<semaphore_mem>>)
    %dma_start3A_124 = arith.constant 2 : i32
    %dma_start3A_125 = arith.constant 2 : i32
    %dma_start3A_126 = arith.constant 0 : i32
    %dma_start3A_127 = arith.constant 0 : i32
    %dma_start3A_128 = tpu.memref_slice %arg5[%rem3A_85, %dma_start3A_125, %dma_start3A_126, %dma_start3A_127] : memref<2x3x8x224xf32, #tpu.memory_space<vmem>> -> memref<1x1x8x224xf32, #tpu.memory_space<vmem>>
    %dma_start3A_129 = tpu.memref_squeeze %dma_start3A_128 : memref<1x1x8x224xf32, #tpu.memory_space<vmem>> -> memref<8x224xf32, #tpu.memory_space<vmem>>
    %dma_start3A_130 = arith.constant 0 : i32
    %dma_start3A_131 = tpu.memref_slice %arg3[%select_n3A, %dma_start3A_124, %add3A_87, %dma_start3A_130] : memref<8x3x224x224xf32, #tpu.memory_space<hbm>> -> memref<1x1x8x224xf32, #tpu.memory_space<hbm>>
    %dma_start3A_132 = tpu.memref_squeeze %dma_start3A_131 : memref<1x1x8x224xf32, #tpu.memory_space<hbm>> -> memref<8x224xf32, #tpu.memory_space<hbm>>
    %dma_start3A_133 = tpu.memref_slice %arg7[%rem3A_85] : memref<2x!tpu.dma_semaphore, #tpu.memory_space<semaphore_mem>> -> memref<1x!tpu.dma_semaphore, #tpu.memory_space<semaphore_mem>>
    %dma_start3A_134 = tpu.memref_squeeze %dma_start3A_133 : memref<1x!tpu.dma_semaphore, #tpu.memory_space<semaphore_mem>> -> memref<!tpu.dma_semaphore, #tpu.memory_space<semaphore_mem>>
    %dma_start3A_135 = arith.constant 0 : i32
    %dma_start3A_136 = arith.constant 0 : i32
    %dma_start3A_137 = tpu.memref_slice %arg5[%rem3A_85, %dma_start3A_125, %dma_start3A_135, %dma_start3A_136] : memref<2x3x8x224xf32, #tpu.memory_space<vmem>> -> memref<1x1x8x224xf32, #tpu.memory_space<vmem>>
    %dma_start3A_138 = tpu.memref_squeeze %dma_start3A_137 : memref<1x1x8x224xf32, #tpu.memory_space<vmem>> -> memref<8x224xf32, #tpu.memory_space<vmem>>
    %dma_start3A_139 = arith.constant 0 : i32
    %dma_start3A_140 = tpu.memref_slice %arg3[%select_n3A, %dma_start3A_124, %add3A_87, %dma_start3A_139] : memref<8x3x224x224xf32, #tpu.memory_space<hbm>> -> memref<1x1x8x224xf32, #tpu.memory_space<hbm>>
    %dma_start3A_141 = tpu.memref_squeeze %dma_start3A_140 : memref<1x1x8x224xf32, #tpu.memory_space<hbm>> -> memref<8x224xf32, #tpu.memory_space<hbm>>
    tpu.enqueue_dma source(%dma_start3A_141 : memref<8x224xf32, #tpu.memory_space<hbm>>) target(%dma_start3A_138 : memref<8x224xf32, #tpu.memory_space<vmem>>) target_semaphore(%dma_start3A_134 : memref<!tpu.dma_semaphore, #tpu.memory_space<semaphore_mem>>)
    %scan3A = arith.constant 0 : i32
    %scan3A_142 = arith.constant 5 : i32
    %scan3A_143 = arith.addi %scan3A, %scan3A_142 : i32
    %scan3A_144 = arith.constant 1 : i32
    %scan3A_145:2 = scf.for %scan3A_158 = %scan3A to %scan3A_143 step %scan3A_144 iter_args(%scan3A_159 = %broadcast_in_dim3A_24, %scan3A_160 = %broadcast_in_dim3A_24) -> (vector<16xf32>, vector<16xf32>)  : i32 {
      %rem3A_161 = arith.constant 2 : i32
      %rem3A_162 = arith.remsi %scan3A_158, %rem3A_161 : i32
      %dma_wait3A = arith.constant 2 : i32
      %dma_wait3A_163 = arith.constant 0 : i32
      %dma_wait3A_164 = arith.constant 0 : i32
      %dma_wait3A_165 = arith.constant 0 : i32
      %dma_wait3A_166 = tpu.memref_slice %arg5[%rem3A_162, %dma_wait3A_163, %dma_wait3A_164, %dma_wait3A_165] : memref<2x3x8x224xf32, #tpu.memory_space<vmem>> -> memref<1x1x8x224xf32, #tpu.memory_space<vmem>>
      %dma_wait3A_167 = tpu.memref_squeeze %dma_wait3A_166 : memref<1x1x8x224xf32, #tpu.memory_space<vmem>> -> memref<8x224xf32, #tpu.memory_space<vmem>>
      %dma_wait3A_168 = arith.constant 0 : i32
      %dma_wait3A_169 = arith.constant 0 : i32
      %dma_wait3A_170 = tpu.memref_slice %arg2[%select_n3A, %dma_wait3A, %dma_wait3A_168, %dma_wait3A_169] : memref<8x3x224x224xf32, #tpu.memory_space<hbm>> -> memref<1x1x8x224xf32, #tpu.memory_space<hbm>>
      %dma_wait3A_171 = tpu.memref_squeeze %dma_wait3A_170 : memref<1x1x8x224xf32, #tpu.memory_space<hbm>> -> memref<8x224xf32, #tpu.memory_space<hbm>>
      %dma_wait3A_172 = tpu.memref_slice %arg7[%rem3A_162] : memref<2x!tpu.dma_semaphore, #tpu.memory_space<semaphore_mem>> -> memref<1x!tpu.dma_semaphore, #tpu.memory_space<semaphore_mem>>
      %dma_wait3A_173 = tpu.memref_squeeze %dma_wait3A_172 : memref<1x!tpu.dma_semaphore, #tpu.memory_space<semaphore_mem>> -> memref<!tpu.dma_semaphore, #tpu.memory_space<semaphore_mem>>
      %dma_wait3A_174 = arith.constant 0 : i32
      %dma_wait3A_175 = arith.constant 0 : i32
      %dma_wait3A_176 = tpu.memref_slice %arg5[%rem3A_162, %dma_wait3A_163, %dma_wait3A_174, %dma_wait3A_175] : memref<2x3x8x224xf32, #tpu.memory_space<vmem>> -> memref<1x1x8x224xf32, #tpu.memory_space<vmem>>
      %dma_wait3A_177 = tpu.memref_squeeze %dma_wait3A_176 : memref<1x1x8x224xf32, #tpu.memory_space<vmem>> -> memref<8x224xf32, #tpu.memory_space<vmem>>
      %dma_wait3A_178 = arith.constant 0 : i32
      %dma_wait3A_179 = arith.constant 0 : i32
      %dma_wait3A_180 = tpu.memref_slice %arg2[%select_n3A, %dma_wait3A, %dma_wait3A_178, %dma_wait3A_179] : memref<8x3x224x224xf32, #tpu.memory_space<hbm>> -> memref<1x1x8x224xf32, #tpu.memory_space<hbm>>
      %dma_wait3A_181 = tpu.memref_squeeze %dma_wait3A_180 : memref<1x1x8x224xf32, #tpu.memory_space<hbm>> -> memref<8x224xf32, #tpu.memory_space<hbm>>
      tpu.wait_dma2 semaphore(%dma_wait3A_173 : memref<!tpu.dma_semaphore, #tpu.memory_space<semaphore_mem>>) src(%dma_wait3A_181 : memref<8x224xf32, #tpu.memory_space<hbm>>) dst(%dma_wait3A_177 : memref<8x224xf32, #tpu.memory_space<vmem>>)
      %dma_wait3A_182 = arith.constant 2 : i32
      %dma_wait3A_183 = arith.constant 1 : i32
      %dma_wait3A_184 = arith.constant 0 : i32
      %dma_wait3A_185 = arith.constant 0 : i32
      %dma_wait3A_186 = tpu.memref_slice %arg5[%rem3A_162, %dma_wait3A_183, %dma_wait3A_184, %dma_wait3A_185] : memref<2x3x8x224xf32, #tpu.memory_space<vmem>> -> memref<1x1x8x224xf32, #tpu.memory_space<vmem>>
      %dma_wait3A_187 = tpu.memref_squeeze %dma_wait3A_186 : memref<1x1x8x224xf32, #tpu.memory_space<vmem>> -> memref<8x224xf32, #tpu.memory_space<vmem>>
      %dma_wait3A_188 = arith.constant 0 : i32
      %dma_wait3A_189 = arith.constant 0 : i32
      %dma_wait3A_190 = tpu.memref_slice %arg2[%select_n3A, %dma_wait3A_182, %dma_wait3A_188, %dma_wait3A_189] : memref<8x3x224x224xf32, #tpu.memory_space<hbm>> -> memref<1x1x8x224xf32, #tpu.memory_space<hbm>>
      %dma_wait3A_191 = tpu.memref_squeeze %dma_wait3A_190 : memref<1x1x8x224xf32, #tpu.memory_space<hbm>> -> memref<8x224xf32, #tpu.memory_space<hbm>>
      %dma_wait3A_192 = tpu.memref_slice %arg7[%rem3A_162] : memref<2x!tpu.dma_semaphore, #tpu.memory_space<semaphore_mem>> -> memref<1x!tpu.dma_semaphore, #tpu.memory_space<semaphore_mem>>
      %dma_wait3A_193 = tpu.memref_squeeze %dma_wait3A_192 : memref<1x!tpu.dma_semaphore, #tpu.memory_space<semaphore_mem>> -> memref<!tpu.dma_semaphore, #tpu.memory_space<semaphore_mem>>
      %dma_wait3A_194 = arith.constant 0 : i32
      %dma_wait3A_195 = arith.constant 0 : i32
      %dma_wait3A_196 = tpu.memref_slice %arg5[%rem3A_162, %dma_wait3A_183, %dma_wait3A_194, %dma_wait3A_195] : memref<2x3x8x224xf32, #tpu.memory_space<vmem>> -> memref<1x1x8x224xf32, #tpu.memory_space<vmem>>
      %dma_wait3A_197 = tpu.memref_squeeze %dma_wait3A_196 : memref<1x1x8x224xf32, #tpu.memory_space<vmem>> -> memref<8x224xf32, #tpu.memory_space<vmem>>
      %dma_wait3A_198 = arith.constant 0 : i32
      %dma_wait3A_199 = arith.constant 0 : i32
      %dma_wait3A_200 = tpu.memref_slice %arg2[%select_n3A, %dma_wait3A_182, %dma_wait3A_198, %dma_wait3A_199] : memref<8x3x224x224xf32, #tpu.memory_space<hbm>> -> memref<1x1x8x224xf32, #tpu.memory_space<hbm>>
      %dma_wait3A_201 = tpu.memref_squeeze %dma_wait3A_200 : memref<1x1x8x224xf32, #tpu.memory_space<hbm>> -> memref<8x224xf32, #tpu.memory_space<hbm>>
      tpu.wait_dma2 semaphore(%dma_wait3A_193 : memref<!tpu.dma_semaphore, #tpu.memory_space<semaphore_mem>>) src(%dma_wait3A_201 : memref<8x224xf32, #tpu.memory_space<hbm>>) dst(%dma_wait3A_197 : memref<8x224xf32, #tpu.memory_space<vmem>>)
      %dma_wait3A_202 = arith.constant 2 : i32
      %dma_wait3A_203 = arith.constant 2 : i32
      %dma_wait3A_204 = arith.constant 0 : i32
      %dma_wait3A_205 = arith.constant 0 : i32
      %dma_wait3A_206 = tpu.memref_slice %arg5[%rem3A_162, %dma_wait3A_203, %dma_wait3A_204, %dma_wait3A_205] : memref<2x3x8x224xf32, #tpu.memory_space<vmem>> -> memref<1x1x8x224xf32, #tpu.memory_space<vmem>>
      %dma_wait3A_207 = tpu.memref_squeeze %dma_wait3A_206 : memref<1x1x8x224xf32, #tpu.memory_space<vmem>> -> memref<8x224xf32, #tpu.memory_space<vmem>>
      %dma_wait3A_208 = arith.constant 0 : i32
      %dma_wait3A_209 = arith.constant 0 : i32
      %dma_wait3A_210 = tpu.memref_slice %arg2[%select_n3A, %dma_wait3A_202, %dma_wait3A_208, %dma_wait3A_209] : memref<8x3x224x224xf32, #tpu.memory_space<hbm>> -> memref<1x1x8x224xf32, #tpu.memory_space<hbm>>
      %dma_wait3A_211 = tpu.memref_squeeze %dma_wait3A_210 : memref<1x1x8x224xf32, #tpu.memory_space<hbm>> -> memref<8x224xf32, #tpu.memory_space<hbm>>
      %dma_wait3A_212 = tpu.memref_slice %arg7[%rem3A_162] : memref<2x!tpu.dma_semaphore, #tpu.memory_space<semaphore_mem>> -> memref<1x!tpu.dma_semaphore, #tpu.memory_space<semaphore_mem>>
      %dma_wait3A_213 = tpu.memref_squeeze %dma_wait3A_212 : memref<1x!tpu.dma_semaphore, #tpu.memory_space<semaphore_mem>> -> memref<!tpu.dma_semaphore, #tpu.memory_space<semaphore_mem>>
      %dma_wait3A_214 = arith.constant 0 : i32
      %dma_wait3A_215 = arith.constant 0 : i32
      %dma_wait3A_216 = tpu.memref_slice %arg5[%rem3A_162, %dma_wait3A_203, %dma_wait3A_214, %dma_wait3A_215] : memref<2x3x8x224xf32, #tpu.memory_space<vmem>> -> memref<1x1x8x224xf32, #tpu.memory_space<vmem>>
      %dma_wait3A_217 = tpu.memref_squeeze %dma_wait3A_216 : memref<1x1x8x224xf32, #tpu.memory_space<vmem>> -> memref<8x224xf32, #tpu.memory_space<vmem>>
      %dma_wait3A_218 = arith.constant 0 : i32
      %dma_wait3A_219 = arith.constant 0 : i32
      %dma_wait3A_220 = tpu.memref_slice %arg2[%select_n3A, %dma_wait3A_202, %dma_wait3A_218, %dma_wait3A_219] : memref<8x3x224x224xf32, #tpu.memory_space<hbm>> -> memref<1x1x8x224xf32, #tpu.memory_space<hbm>>
      %dma_wait3A_221 = tpu.memref_squeeze %dma_wait3A_220 : memref<1x1x8x224xf32, #tpu.memory_space<hbm>> -> memref<8x224xf32, #tpu.memory_space<hbm>>
      tpu.wait_dma2 semaphore(%dma_wait3A_213 : memref<!tpu.dma_semaphore, #tpu.memory_space<semaphore_mem>>) src(%dma_wait3A_221 : memref<8x224xf32, #tpu.memory_space<hbm>>) dst(%dma_wait3A_217 : memref<8x224xf32, #tpu.memory_space<vmem>>)
      %add3A_222 = arith.constant 2 : i32
      %add3A_223 = arith.addi %scan3A_158, %add3A_222 : i32
      %lt3A = arith.constant 5 : i32
      %lt3A_224 = arith.cmpi slt, %add3A_223, %lt3A : i32
      %convert_element_type3A = arith.extui %lt3A_224 : i1 to i32
      %cond3A = arith.constant 0 : i32
      %cond3A_225 = arith.cmpi ne, %convert_element_type3A, %cond3A : i32
      scf.if %cond3A_225 {
        %add3A_232 = arith.constant 2 : i32
        %add3A_233 = arith.addi %scan3A_158, %add3A_232 : i32
        %rem3A_234 = arith.constant 2 : i32
        %rem3A_235 = arith.remsi %add3A_233, %rem3A_234 : i32
        %mul3A_236 = arith.constant 8 : i32
        %mul3A_237 = arith.muli %add3A_233, %mul3A_236 : i32
        %add3A_238 = arith.addi %mul3A_23, %mul3A_237 : i32
        %dma_start3A_239 = arith.constant 2 : i32
        %dma_start3A_240 = arith.constant 0 : i32
        %dma_start3A_241 = arith.constant 0 : i32
        %dma_start3A_242 = arith.constant 0 : i32
        %dma_start3A_243 = tpu.memref_slice %arg5[%rem3A_235, %dma_start3A_240, %dma_start3A_241, %dma_start3A_242] : memref<2x3x8x224xf32, #tpu.memory_space<vmem>> -> memref<1x1x8x224xf32, #tpu.memory_space<vmem>>
        %dma_start3A_244 = tpu.memref_squeeze %dma_start3A_243 : memref<1x1x8x224xf32, #tpu.memory_space<vmem>> -> memref<8x224xf32, #tpu.memory_space<vmem>>
        %dma_start3A_245 = arith.constant 0 : i32
        %dma_start3A_246 = tpu.memref_slice %arg2[%select_n3A, %dma_start3A_239, %add3A_238, %dma_start3A_245] : memref<8x3x224x224xf32, #tpu.memory_space<hbm>> -> memref<1x1x8x224xf32, #tpu.memory_space<hbm>>
        %dma_start3A_247 = tpu.memref_squeeze %dma_start3A_246 : memref<1x1x8x224xf32, #tpu.memory_space<hbm>> -> memref<8x224xf32, #tpu.memory_space<hbm>>
        %dma_start3A_248 = tpu.memref_slice %arg7[%rem3A_235] : memref<2x!tpu.dma_semaphore, #tpu.memory_space<semaphore_mem>> -> memref<1x!tpu.dma_semaphore, #tpu.memory_space<semaphore_mem>>
        %dma_start3A_249 = tpu.memref_squeeze %dma_start3A_248 : memref<1x!tpu.dma_semaphore, #tpu.memory_space<semaphore_mem>> -> memref<!tpu.dma_semaphore, #tpu.memory_space<semaphore_mem>>
        %dma_start3A_250 = arith.constant 0 : i32
        %dma_start3A_251 = arith.constant 0 : i32
        %dma_start3A_252 = tpu.memref_slice %arg5[%rem3A_235, %dma_start3A_240, %dma_start3A_250, %dma_start3A_251] : memref<2x3x8x224xf32, #tpu.memory_space<vmem>> -> memref<1x1x8x224xf32, #tpu.memory_space<vmem>>
        %dma_start3A_253 = tpu.memref_squeeze %dma_start3A_252 : memref<1x1x8x224xf32, #tpu.memory_space<vmem>> -> memref<8x224xf32, #tpu.memory_space<vmem>>
        %dma_start3A_254 = arith.constant 0 : i32
        %dma_start3A_255 = tpu.memref_slice %arg2[%select_n3A, %dma_start3A_239, %add3A_238, %dma_start3A_254] : memref<8x3x224x224xf32, #tpu.memory_space<hbm>> -> memref<1x1x8x224xf32, #tpu.memory_space<hbm>>
        %dma_start3A_256 = tpu.memref_squeeze %dma_start3A_255 : memref<1x1x8x224xf32, #tpu.memory_space<hbm>> -> memref<8x224xf32, #tpu.memory_space<hbm>>
        tpu.enqueue_dma source(%dma_start3A_256 : memref<8x224xf32, #tpu.memory_space<hbm>>) target(%dma_start3A_253 : memref<8x224xf32, #tpu.memory_space<vmem>>) target_semaphore(%dma_start3A_249 : memref<!tpu.dma_semaphore, #tpu.memory_space<semaphore_mem>>)
        %dma_start3A_257 = arith.constant 0 : i32
        %dma_start3A_258 = arith.constant 1 : i32
        %dma_start3A_259 = arith.constant 0 : i32
        %dma_start3A_260 = arith.constant 0 : i32
        %dma_start3A_261 = tpu.memref_slice %arg5[%rem3A_235, %dma_start3A_258, %dma_start3A_259, %dma_start3A_260] : memref<2x3x8x224xf32, #tpu.memory_space<vmem>> -> memref<1x1x8x224xf32, #tpu.memory_space<vmem>>
        %dma_start3A_262 = tpu.memref_squeeze %dma_start3A_261 : memref<1x1x8x224xf32, #tpu.memory_space<vmem>> -> memref<8x224xf32, #tpu.memory_space<vmem>>
        %dma_start3A_263 = arith.constant 0 : i32
        %dma_start3A_264 = tpu.memref_slice %arg3[%select_n3A, %dma_start3A_257, %add3A_238, %dma_start3A_263] : memref<8x3x224x224xf32, #tpu.memory_space<hbm>> -> memref<1x1x8x224xf32, #tpu.memory_space<hbm>>
        %dma_start3A_265 = tpu.memref_squeeze %dma_start3A_264 : memref<1x1x8x224xf32, #tpu.memory_space<hbm>> -> memref<8x224xf32, #tpu.memory_space<hbm>>
        %dma_start3A_266 = tpu.memref_slice %arg7[%rem3A_235] : memref<2x!tpu.dma_semaphore, #tpu.memory_space<semaphore_mem>> -> memref<1x!tpu.dma_semaphore, #tpu.memory_space<semaphore_mem>>
        %dma_start3A_267 = tpu.memref_squeeze %dma_start3A_266 : memref<1x!tpu.dma_semaphore, #tpu.memory_space<semaphore_mem>> -> memref<!tpu.dma_semaphore, #tpu.memory_space<semaphore_mem>>
        %dma_start3A_268 = arith.constant 0 : i32
        %dma_start3A_269 = arith.constant 0 : i32
        %dma_start3A_270 = tpu.memref_slice %arg5[%rem3A_235, %dma_start3A_258, %dma_start3A_268, %dma_start3A_269] : memref<2x3x8x224xf32, #tpu.memory_space<vmem>> -> memref<1x1x8x224xf32, #tpu.memory_space<vmem>>
        %dma_start3A_271 = tpu.memref_squeeze %dma_start3A_270 : memref<1x1x8x224xf32, #tpu.memory_space<vmem>> -> memref<8x224xf32, #tpu.memory_space<vmem>>
        %dma_start3A_272 = arith.constant 0 : i32
        %dma_start3A_273 = tpu.memref_slice %arg3[%select_n3A, %dma_start3A_257, %add3A_238, %dma_start3A_272] : memref<8x3x224x224xf32, #tpu.memory_space<hbm>> -> memref<1x1x8x224xf32, #tpu.memory_space<hbm>>
        %dma_start3A_274 = tpu.memref_squeeze %dma_start3A_273 : memref<1x1x8x224xf32, #tpu.memory_space<hbm>> -> memref<8x224xf32, #tpu.memory_space<hbm>>
        tpu.enqueue_dma source(%dma_start3A_274 : memref<8x224xf32, #tpu.memory_space<hbm>>) target(%dma_start3A_271 : memref<8x224xf32, #tpu.memory_space<vmem>>) target_semaphore(%dma_start3A_267 : memref<!tpu.dma_semaphore, #tpu.memory_space<semaphore_mem>>)
        %dma_start3A_275 = arith.constant 2 : i32
        %dma_start3A_276 = arith.constant 2 : i32
        %dma_start3A_277 = arith.constant 0 : i32
        %dma_start3A_278 = arith.constant 0 : i32
        %dma_start3A_279 = tpu.memref_slice %arg5[%rem3A_235, %dma_start3A_276, %dma_start3A_277, %dma_start3A_278] : memref<2x3x8x224xf32, #tpu.memory_space<vmem>> -> memref<1x1x8x224xf32, #tpu.memory_space<vmem>>
        %dma_start3A_280 = tpu.memref_squeeze %dma_start3A_279 : memref<1x1x8x224xf32, #tpu.memory_space<vmem>> -> memref<8x224xf32, #tpu.memory_space<vmem>>
        %dma_start3A_281 = arith.constant 0 : i32
        %dma_start3A_282 = tpu.memref_slice %arg3[%select_n3A, %dma_start3A_275, %add3A_238, %dma_start3A_281] : memref<8x3x224x224xf32, #tpu.memory_space<hbm>> -> memref<1x1x8x224xf32, #tpu.memory_space<hbm>>
        %dma_start3A_283 = tpu.memref_squeeze %dma_start3A_282 : memref<1x1x8x224xf32, #tpu.memory_space<hbm>> -> memref<8x224xf32, #tpu.memory_space<hbm>>
        %dma_start3A_284 = tpu.memref_slice %arg7[%rem3A_235] : memref<2x!tpu.dma_semaphore, #tpu.memory_space<semaphore_mem>> -> memref<1x!tpu.dma_semaphore, #tpu.memory_space<semaphore_mem>>
        %dma_start3A_285 = tpu.memref_squeeze %dma_start3A_284 : memref<1x!tpu.dma_semaphore, #tpu.memory_space<semaphore_mem>> -> memref<!tpu.dma_semaphore, #tpu.memory_space<semaphore_mem>>
        %dma_start3A_286 = arith.constant 0 : i32
        %dma_start3A_287 = arith.constant 0 : i32
        %dma_start3A_288 = tpu.memref_slice %arg5[%rem3A_235, %dma_start3A_276, %dma_start3A_286, %dma_start3A_287] : memref<2x3x8x224xf32, #tpu.memory_space<vmem>> -> memref<1x1x8x224xf32, #tpu.memory_space<vmem>>
        %dma_start3A_289 = tpu.memref_squeeze %dma_start3A_288 : memref<1x1x8x224xf32, #tpu.memory_space<vmem>> -> memref<8x224xf32, #tpu.memory_space<vmem>>
        %dma_start3A_290 = arith.constant 0 : i32
        %dma_start3A_291 = tpu.memref_slice %arg3[%select_n3A, %dma_start3A_275, %add3A_238, %dma_start3A_290] : memref<8x3x224x224xf32, #tpu.memory_space<hbm>> -> memref<1x1x8x224xf32, #tpu.memory_space<hbm>>
        %dma_start3A_292 = tpu.memref_squeeze %dma_start3A_291 : memref<1x1x8x224xf32, #tpu.memory_space<hbm>> -> memref<8x224xf32, #tpu.memory_space<hbm>>
        tpu.enqueue_dma source(%dma_start3A_292 : memref<8x224xf32, #tpu.memory_space<hbm>>) target(%dma_start3A_289 : memref<8x224xf32, #tpu.memory_space<vmem>>) target_semaphore(%dma_start3A_285 : memref<!tpu.dma_semaphore, #tpu.memory_space<semaphore_mem>>)
      } else {
      }
      %scan3A_226 = arith.constant 0 : i32
      %scan3A_227 = arith.constant 8 : i32
      %scan3A_228 = arith.addi %scan3A_226, %scan3A_227 : i32
      %scan3A_229 = arith.constant 1 : i32
      %scan3A_230:2 = scf.for %scan3A_232 = %scan3A_226 to %scan3A_228 step %scan3A_229 iter_args(%scan3A_233 = %scan3A_159, %scan3A_234 = %scan3A_160) -> (vector<16xf32>, vector<16xf32>)  : i32 {
        %scan3A_235 = arith.constant 0 : i32
        %scan3A_236 = arith.constant 7 : i32
        %scan3A_237 = arith.addi %scan3A_235, %scan3A_236 : i32
        %scan3A_238 = arith.constant 1 : i32
        %scan3A_239:2 = scf.for %scan3A_241 = %scan3A_235 to %scan3A_237 step %scan3A_238 iter_args(%scan3A_242 = %scan3A_233, %scan3A_243 = %scan3A_234) -> (vector<16xf32>, vector<16xf32>)  : i32 {
          %mul3A_244 = arith.constant 2 : i32
          %mul3A_245 = arith.muli %scan3A_241, %mul3A_244 : i32
          %add3A_246 = arith.constant 0 : i32
          %add3A_247 = arith.addi %mul3A_245, %add3A_246 : i32
          %mul3A_248 = arith.constant 16 : i32
          %mul3A_249 = arith.muli %add3A_247, %mul3A_248 : i32
          %get3A = arith.constant 0 : i32
          %get3A_250 = arith.index_cast %rem3A_162 : i32 to index
          %get3A_251 = arith.index_cast %get3A : i32 to index
          %get3A_252 = arith.index_cast %scan3A_232 : i32 to index
          %get3A_253 = arith.index_cast %mul3A_249 : i32 to index
          %get3A_254 = tpu.vector_load %arg5[%get3A_250, %get3A_251, %get3A_252, %get3A_253] {strides = array<i32>} : memref<2x3x8x224xf32, #tpu.memory_space<vmem>>, vector<1x1x1x16xf32>,
          %get3A_255 = vector.shape_cast %get3A_254 : vector<1x1x1x16xf32> to vector<16xf32>
          %get3A_256 = arith.constant 1 : i32
          %get3A_257 = arith.index_cast %rem3A_162 : i32 to index
          %get3A_258 = arith.index_cast %get3A_256 : i32 to index
          %get3A_259 = arith.index_cast %scan3A_232 : i32 to index
          %get3A_260 = arith.index_cast %mul3A_249 : i32 to index
          %get3A_261 = tpu.vector_load %arg5[%get3A_257, %get3A_258, %get3A_259, %get3A_260] {strides = array<i32>} : memref<2x3x8x224xf32, #tpu.memory_space<vmem>>, vector<1x1x1x16xf32>,
          %get3A_262 = vector.shape_cast %get3A_261 : vector<1x1x1x16xf32> to vector<16xf32>
          %get3A_263 = arith.constant 2 : i32
          %get3A_264 = arith.index_cast %rem3A_162 : i32 to index
          %get3A_265 = arith.index_cast %get3A_263 : i32 to index
          %get3A_266 = arith.index_cast %scan3A_232 : i32 to index
          %get3A_267 = arith.index_cast %mul3A_249 : i32 to index
          %get3A_268 = tpu.vector_load %arg5[%get3A_264, %get3A_265, %get3A_266, %get3A_267] {strides = array<i32>} : memref<2x3x8x224xf32, #tpu.memory_space<vmem>>, vector<1x1x1x16xf32>,
          %get3A_269 = vector.shape_cast %get3A_268 : vector<1x1x1x16xf32> to vector<16xf32>
          %mul3A_270 = arith.mulf %get3A_269, %get3A_262 : vector<16xf32>
          %sub3A_271 = arith.subf %get3A_269, %mul3A_270 : vector<16xf32>
          %add3A_272 = arith.addf %scan3A_242, %get3A_269 : vector<16xf32>
          %abs3A = math.absf %get3A_255 : vector<16xf32>
          %neg3A = arith.constant 0.000000e+00 : f32
          %neg3A_273 = vector.broadcast %neg3A : f32 to vector<16xf32>
          %neg3A_274 = arith.subf %neg3A_273, %abs3A : vector<16xf32>
          %exp3A = math.exp %neg3A_274 : vector<16xf32>
          %mul3A_275 = arith.constant -0.00600660499 : f32
          %mul3A_276 = vector.broadcast %mul3A_275 : f32 to vector<16xf32>
          %mul3A_277 = arith.mulf %mul3A_276, %exp3A : vector<16xf32>
          %add3A_278 = arith.constant 3.426460e-02 : f32
          %add3A_279 = vector.broadcast %add3A_278 : f32 to vector<16xf32>
          %add3A_280 = arith.addf %mul3A_277, %add3A_279 : vector<16xf32>
          %mul3A_281 = arith.mulf %add3A_280, %exp3A : vector<16xf32>
          %add3A_282 = arith.constant -0.0922904164 : f32
          %add3A_283 = vector.broadcast %add3A_282 : f32 to vector<16xf32>
          %add3A_284 = arith.addf %mul3A_281, %add3A_283 : vector<16xf32>
          %mul3A_285 = arith.mulf %add3A_284, %exp3A : vector<16xf32>
          %add3A_286 = arith.constant 0.164998129 : f32
          %add3A_287 = vector.broadcast %add3A_286 : f32 to vector<16xf32>
          %add3A_288 = arith.addf %mul3A_285, %add3A_287 : vector<16xf32>
          %mul3A_289 = arith.mulf %add3A_288, %exp3A : vector<16xf32>
          %add3A_290 = arith.constant -0.239433378 : f32
          %add3A_291 = vector.broadcast %add3A_290 : f32 to vector<16xf32>
          %add3A_292 = arith.addf %mul3A_289, %add3A_291 : vector<16xf32>
          %mul3A_293 = arith.mulf %add3A_292, %exp3A : vector<16xf32>
          %add3A_294 = arith.constant 0.331446648 : f32
          %add3A_295 = vector.broadcast %add3A_294 : f32 to vector<16xf32>
          %add3A_296 = arith.addf %mul3A_293, %add3A_295 : vector<16xf32>
          %mul3A_297 = arith.mulf %add3A_296, %exp3A : vector<16xf32>
          %add3A_298 = arith.constant -0.499825507 : f32
          %add3A_299 = vector.broadcast %add3A_298 : f32 to vector<16xf32>
          %add3A_300 = arith.addf %mul3A_297, %add3A_299 : vector<16xf32>
          %mul3A_301 = arith.mulf %add3A_300, %exp3A : vector<16xf32>
          %add3A_302 = arith.constant 0.999993622 : f32
          %add3A_303 = vector.broadcast %add3A_302 : f32 to vector<16xf32>
          %add3A_304 = arith.addf %mul3A_301, %add3A_303 : vector<16xf32>
          %mul3A_305 = arith.mulf %add3A_304, %exp3A : vector<16xf32>
          %add3A_306 = arith.constant 3.91090538E-8 : f32
          %add3A_307 = vector.broadcast %add3A_306 : f32 to vector<16xf32>
          %add3A_308 = arith.addf %mul3A_305, %add3A_307 : vector<16xf32>
          %max3A = arith.constant 0.000000e+00 : f32
          %max3A_309 = vector.broadcast %max3A : f32 to vector<16xf32>
          %max3A_310 = arith.maximumf %get3A_255, %max3A_309 : vector<16xf32>
          %mul3A_311 = arith.mulf %get3A_255, %sub3A_271 : vector<16xf32>
          %sub3A_312 = arith.subf %max3A_310, %mul3A_311 : vector<16xf32>
          %add3A_313 = arith.addf %sub3A_312, %add3A_308 : vector<16xf32>
          %add3A_314 = arith.addf %scan3A_243, %add3A_313 : vector<16xf32>
          %mul3A_315 = arith.constant 2 : i32
          %mul3A_316 = arith.muli %scan3A_241, %mul3A_315 : i32
          %add3A_317 = arith.constant 1 : i32
          %add3A_318 = arith.addi %mul3A_316, %add3A_317 : i32
          %mul3A_319 = arith.constant 16 : i32
          %mul3A_320 = arith.muli %add3A_318, %mul3A_319 : i32
          %get3A_321 = arith.constant 0 : i32
          %get3A_322 = arith.index_cast %rem3A_162 : i32 to index
          %get3A_323 = arith.index_cast %get3A_321 : i32 to index
          %get3A_324 = arith.index_cast %scan3A_232 : i32 to index
          %get3A_325 = arith.index_cast %mul3A_320 : i32 to index
          %get3A_326 = tpu.vector_load %arg5[%get3A_322, %get3A_323, %get3A_324, %get3A_325] {strides = array<i32>} : memref<2x3x8x224xf32, #tpu.memory_space<vmem>>, vector<1x1x1x16xf32>,
          %get3A_327 = vector.shape_cast %get3A_326 : vector<1x1x1x16xf32> to vector<16xf32>
          %get3A_328 = arith.constant 1 : i32
          %get3A_329 = arith.index_cast %rem3A_162 : i32 to index
          %get3A_330 = arith.index_cast %get3A_328 : i32 to index
          %get3A_331 = arith.index_cast %scan3A_232 : i32 to index
          %get3A_332 = arith.index_cast %mul3A_320 : i32 to index
          %get3A_333 = tpu.vector_load %arg5[%get3A_329, %get3A_330, %get3A_331, %get3A_332] {strides = array<i32>} : memref<2x3x8x224xf32, #tpu.memory_space<vmem>>, vector<1x1x1x16xf32>,
          %get3A_334 = vector.shape_cast %get3A_333 : vector<1x1x1x16xf32> to vector<16xf32>
          %get3A_335 = arith.constant 2 : i32
          %get3A_336 = arith.index_cast %rem3A_162 : i32 to index
          %get3A_337 = arith.index_cast %get3A_335 : i32 to index
          %get3A_338 = arith.index_cast %scan3A_232 : i32 to index
          %get3A_339 = arith.index_cast %mul3A_320 : i32 to index
          %get3A_340 = tpu.vector_load %arg5[%get3A_336, %get3A_337, %get3A_338, %get3A_339] {strides = array<i32>} : memref<2x3x8x224xf32, #tpu.memory_space<vmem>>, vector<1x1x1x16xf32>,
          %get3A_341 = vector.shape_cast %get3A_340 : vector<1x1x1x16xf32> to vector<16xf32>
          %mul3A_342 = arith.mulf %get3A_341, %get3A_334 : vector<16xf32>
          %sub3A_343 = arith.subf %get3A_341, %mul3A_342 : vector<16xf32>
          %add3A_344 = arith.addf %add3A_272, %get3A_341 : vector<16xf32>
          %abs3A_345 = math.absf %get3A_327 : vector<16xf32>
          %neg3A_346 = arith.constant 0.000000e+00 : f32
          %neg3A_347 = vector.broadcast %neg3A_346 : f32 to vector<16xf32>
          %neg3A_348 = arith.subf %neg3A_347, %abs3A_345 : vector<16xf32>
          %exp3A_349 = math.exp %neg3A_348 : vector<16xf32>
          %mul3A_350 = arith.constant -0.00600660499 : f32
          %mul3A_351 = vector.broadcast %mul3A_350 : f32 to vector<16xf32>
          %mul3A_352 = arith.mulf %mul3A_351, %exp3A_349 : vector<16xf32>
          %add3A_353 = arith.constant 3.426460e-02 : f32
          %add3A_354 = vector.broadcast %add3A_353 : f32 to vector<16xf32>
          %add3A_355 = arith.addf %mul3A_352, %add3A_354 : vector<16xf32>
          %mul3A_356 = arith.mulf %add3A_355, %exp3A_349 : vector<16xf32>
          %add3A_357 = arith.constant -0.0922904164 : f32
          %add3A_358 = vector.broadcast %add3A_357 : f32 to vector<16xf32>
          %add3A_359 = arith.addf %mul3A_356, %add3A_358 : vector<16xf32>
          %mul3A_360 = arith.mulf %add3A_359, %exp3A_349 : vector<16xf32>
          %add3A_361 = arith.constant 0.164998129 : f32
          %add3A_362 = vector.broadcast %add3A_361 : f32 to vector<16xf32>
          %add3A_363 = arith.addf %mul3A_360, %add3A_362 : vector<16xf32>
          %mul3A_364 = arith.mulf %add3A_363, %exp3A_349 : vector<16xf32>
          %add3A_365 = arith.constant -0.239433378 : f32
          %add3A_366 = vector.broadcast %add3A_365 : f32 to vector<16xf32>
          %add3A_367 = arith.addf %mul3A_364, %add3A_366 : vector<16xf32>
          %mul3A_368 = arith.mulf %add3A_367, %exp3A_349 : vector<16xf32>
          %add3A_369 = arith.constant 0.331446648 : f32
          %add3A_370 = vector.broadcast %add3A_369 : f32 to vector<16xf32>
          %add3A_371 = arith.addf %mul3A_368, %add3A_370 : vector<16xf32>
          %mul3A_372 = arith.mulf %add3A_371, %exp3A_349 : vector<16xf32>
          %add3A_373 = arith.constant -0.499825507 : f32
          %add3A_374 = vector.broadcast %add3A_373 : f32 to vector<16xf32>
          %add3A_375 = arith.addf %mul3A_372, %add3A_374 : vector<16xf32>
          %mul3A_376 = arith.mulf %add3A_375, %exp3A_349 : vector<16xf32>
          %add3A_377 = arith.constant 0.999993622 : f32
          %add3A_378 = vector.broadcast %add3A_377 : f32 to vector<16xf32>
          %add3A_379 = arith.addf %mul3A_376, %add3A_378 : vector<16xf32>
          %mul3A_380 = arith.mulf %add3A_379, %exp3A_349 : vector<16xf32>
          %add3A_381 = arith.constant 3.91090538E-8 : f32
          %add3A_382 = vector.broadcast %add3A_381 : f32 to vector<16xf32>
          %add3A_383 = arith.addf %mul3A_380, %add3A_382 : vector<16xf32>
          %max3A_384 = arith.constant 0.000000e+00 : f32
          %max3A_385 = vector.broadcast %max3A_384 : f32 to vector<16xf32>
          %max3A_386 = arith.maximumf %get3A_327, %max3A_385 : vector<16xf32>
          %mul3A_387 = arith.mulf %get3A_327, %sub3A_343 : vector<16xf32>
          %sub3A_388 = arith.subf %max3A_386, %mul3A_387 : vector<16xf32>
          %add3A_389 = arith.addf %sub3A_388, %add3A_383 : vector<16xf32>
          %add3A_390 = arith.addf %add3A_314, %add3A_389 : vector<16xf32>
          scf.yield %add3A_344, %add3A_390 : vector<16xf32>, vector<16xf32>
        }
        %scan3A_240 = arith.constant 7 : i32
        scf.yield %scan3A_239#0, %scan3A_239#1 : vector<16xf32>, vector<16xf32>
      }
      %scan3A_231 = arith.constant 8 : i32
      scf.yield %scan3A_230#0, %scan3A_230#1 : vector<16xf32>, vector<16xf32>
    }
    %scan3A_146 = arith.constant 5 : i32
    %swap3A = arith.constant 0 : i32
    %swap3A_147 = arith.index_cast %swap3A : i32 to index
    %swap3A_148 = arith.constant 0 : index
    %swap3A_149 = tpu.vector_load %arg6[%swap3A_147, %swap3A_148] {strides = array<i32>} : memref<2x16xf32, #tpu.memory_space<vmem>>, vector<1x16xf32>,
    %swap3A_150 = vector.shape_cast %swap3A_149 : vector<1x16xf32> to vector<16xf32>
    %swap3A_151 = vector.shape_cast %scan3A_145#0 : vector<16xf32> to vector<1x16xf32>
    tpu.vector_store %arg6[%swap3A_147, %swap3A_148], %swap3A_151 {strides = array<i32>} : memref<2x16xf32, #tpu.memory_space<vmem>>, vector<1x16xf32>,
    %swap3A_152 = arith.constant 1 : i32
    %swap3A_153 = arith.index_cast %swap3A_152 : i32 to index
    %swap3A_154 = arith.constant 0 : index
    %swap3A_155 = tpu.vector_load %arg6[%swap3A_153, %swap3A_154] {strides = array<i32>} : memref<2x16xf32, #tpu.memory_space<vmem>>, vector<1x16xf32>,
    %swap3A_156 = vector.shape_cast %swap3A_155 : vector<1x16xf32> to vector<16xf32>
    %swap3A_157 = vector.shape_cast %scan3A_145#1 : vector<16xf32> to vector<1x16xf32>
    tpu.vector_store %arg6[%swap3A_153, %swap3A_154], %swap3A_157 {strides = array<i32>} : memref<2x16xf32, #tpu.memory_space<vmem>>, vector<1x16xf32>,
    "tpu.region"() ({
      %run_scoped3A = tpu.sem_alloc : memref<!tpu.dma_semaphore, #tpu.memory_space<semaphore_mem>>
      %dma_start3A_158 = arith.constant 0 : i32
      %dma_start3A_159 = arith.constant 0 : i32
      %dma_start3A_160 = tpu.memref_slice %arg4[%add3A, %dma_start3A_158, %dma_start3A_159] : memref<32x2x16xf32, #tpu.memory_space<hbm>> -> memref<1x2x16xf32, #tpu.memory_space<hbm>>
      %dma_start3A_161 = tpu.memref_squeeze %dma_start3A_160 : memref<1x2x16xf32, #tpu.memory_space<hbm>> -> memref<2x16xf32, #tpu.memory_space<hbm>>
      %dma_start3A_162 = arith.constant 0 : i32
      %dma_start3A_163 = arith.constant 0 : i32
      %dma_start3A_164 = tpu.memref_slice %arg4[%add3A, %dma_start3A_162, %dma_start3A_163] : memref<32x2x16xf32, #tpu.memory_space<hbm>> -> memref<1x2x16xf32, #tpu.memory_space<hbm>>
      %dma_start3A_165 = tpu.memref_squeeze %dma_start3A_164 : memref<1x2x16xf32, #tpu.memory_space<hbm>> -> memref<2x16xf32, #tpu.memory_space<hbm>>
      tpu.enqueue_dma source(%arg6 : memref<2x16xf32, #tpu.memory_space<vmem>>) target(%dma_start3A_165 : memref<2x16xf32, #tpu.memory_space<hbm>>) target_semaphore(%run_scoped3A : memref<!tpu.dma_semaphore, #tpu.memory_space<semaphore_mem>>)
      %dma_wait3A = arith.constant 0 : i32
      %dma_wait3A_166 = arith.constant 0 : i32
      %dma_wait3A_167 = tpu.memref_slice %arg4[%add3A, %dma_wait3A, %dma_wait3A_166] : memref<32x2x16xf32, #tpu.memory_space<hbm>> -> memref<1x2x16xf32, #tpu.memory_space<hbm>>
      %dma_wait3A_168 = tpu.memref_squeeze %dma_wait3A_167 : memref<1x2x16xf32, #tpu.memory_space<hbm>> -> memref<2x16xf32, #tpu.memory_space<hbm>>
      %dma_wait3A_169 = arith.constant 0 : i32
      %dma_wait3A_170 = arith.constant 0 : i32
      %dma_wait3A_171 = tpu.memref_slice %arg4[%add3A, %dma_wait3A_169, %dma_wait3A_170] : memref<32x2x16xf32, #tpu.memory_space<hbm>> -> memref<1x2x16xf32, #tpu.memory_space<hbm>>
      %dma_wait3A_172 = tpu.memref_squeeze %dma_wait3A_171 : memref<1x2x16xf32, #tpu.memory_space<hbm>> -> memref<2x16xf32, #tpu.memory_space<hbm>>
      tpu.wait_dma2 semaphore(%run_scoped3A : memref<!tpu.dma_semaphore, #tpu.memory_space<semaphore_mem>>) src(%arg6 : memref<2x16xf32, #tpu.memory_space<vmem>>) dst(%dma_wait3A_172 : memref<2x16xf32, #tpu.memory_space<hbm>>)
      tpu.yield
    }) : () -> ()
    return
  }
}

module attributes {stable_mosaic.version = 14 : i64} {
  func.func @_combine_body(%arg0: memref<8x4x2x16xf32, #tpu.memory_space<vmem>>, %arg1: memref<1x3xf32, #tpu.memory_space<smem>>, %arg2: memref<8x1x2xf32, #tpu.memory_space<vmem>>, %arg3: memref<1x1xf32, #tpu.memory_space<smem>>) attributes {dimension_semantics = [], scalar_prefetch = 0 : i64, scratch_operands = 0 : i64, tpu.core_type = #tpu.core_type<tc>} {
    %get3A = arith.constant 0 : index
    %get3A_0 = arith.constant 0 : index
    %get3A_1 = arith.constant 0 : index
    %get3A_2 = arith.constant 0 : index
    %get3A_3 = vector.load %arg0[%get3A, %get3A_0, %get3A_1, %get3A_2] : memref<8x4x2x16xf32, #tpu.memory_space<vmem>>, vector<8x4x2x16xf32>
    %reduce_sum3A = arith.constant dense<0.000000e+00> : vector<8x2x16xf32>
    %reduce_sum3A_4 = vector.multi_reduction <add>, %get3A_3, %reduce_sum3A [1] : vector<8x4x2x16xf32> to vector<8x2x16xf32>
    %reduce_sum3A_5 = arith.constant dense<0.000000e+00> : vector<8x2xf32>
    %reduce_sum3A_6 = vector.multi_reduction <add>, %reduce_sum3A_4, %reduce_sum3A_5 [2] : vector<8x2x16xf32> to vector<8x2xf32>
    %get3A_7 = arith.constant 0 : index
    %get3A_8 = arith.constant 0 : index
    %get3A_9 = arith.constant 0 : index
    %get3A_10 = vector.load %arg2[%get3A_7, %get3A_8, %get3A_9] : memref<8x1x2xf32, #tpu.memory_space<vmem>>, vector<8x1x2xf32>
    %squeeze3A = vector.shape_cast %get3A_10 : vector<8x1x2xf32> to vector<8x2xf32>
    %add3A = arith.addf %reduce_sum3A_6, %squeeze3A : vector<8x2xf32>
    %iota3A = tpu.iota {dimensions = array<i32: 1>} : vector<8x2xi32>
    %slice3A = vector.extract_strided_slice %add3A {offsets = [0, 0], sizes = [8, 1], strides = [1, 1]} : vector<8x2xf32> to vector<8x1xf32>
    %ne3A = arith.constant 0.000000e+00 : f32
    %ne3A_11 = vector.broadcast %ne3A : f32 to vector<8x1xf32>
    %ne3A_12 = arith.cmpf one, %slice3A, %ne3A_11 : vector<8x1xf32>
    %broadcast_in_dim3A = arith.constant 0.000000e+00 : f32
    %broadcast_in_dim3A_13 = vector.broadcast %broadcast_in_dim3A : f32 to vector<8x2xf32>
    %eq3A = arith.constant 1 : i32
    %eq3A_14 = vector.broadcast %eq3A : i32 to vector<8x2xi32>
    %eq3A_15 = arith.cmpi eq, %iota3A, %eq3A_14 : vector<8x2xi32>
    %and3A = vector.broadcast %ne3A_12 : vector<8x1xi1> to vector<8x2xi1>
    %and3A_16 = arith.andi %eq3A_15, %and3A : vector<8x2xi1>
    %select_n3A = arith.select %and3A_16, %add3A, %broadcast_in_dim3A_13 : vector<8x2xi1>, vector<8x2xf32>
    %reduce_sum3A_17 = vector.shape_cast %select_n3A : vector<8x2xf32> to vector<1x8x2xf32>
    %reduce_sum3A_18 = arith.constant dense<0.000000e+00> : vector<1xf32>
    %reduce_sum3A_19 = vector.multi_reduction <add>, %reduce_sum3A_17, %reduce_sum3A_18 [1, 2] : vector<1x8x2xf32> to vector<1xf32>
    %reduce_sum3A_20 = vector.shape_cast %reduce_sum3A_19 : vector<1xf32> to vector<1x1x1xf32>
    %reduce_sum3A_21 = vector.extract %reduce_sum3A_20[0, 0, 0] : f32 from vector<1x1x1xf32>
    %eq3A_22 = arith.constant 1 : i32
    %eq3A_23 = vector.broadcast %eq3A_22 : i32 to vector<8x2xi32>
    %eq3A_24 = arith.cmpi eq, %iota3A, %eq3A_23 : vector<8x2xi32>
    %and3A_25 = vector.broadcast %ne3A_12 : vector<8x1xi1> to vector<8x2xi1>
    %and3A_26 = arith.andi %eq3A_24, %and3A_25 : vector<8x2xi1>
    %jit3A = arith.constant 5.017600e+04 : f32
    %broadcast_in_dim3A_27 = vector.broadcast %jit3A : f32 to vector<8x2xf32>
    %select_n3A_28 = arith.select %and3A_26, %broadcast_in_dim3A_27, %broadcast_in_dim3A_13 : vector<8x2xi1>, vector<8x2xf32>
    %reduce_sum3A_29 = vector.shape_cast %select_n3A_28 : vector<8x2xf32> to vector<1x8x2xf32>
    %reduce_sum3A_30 = arith.constant dense<0.000000e+00> : vector<1xf32>
    %reduce_sum3A_31 = vector.multi_reduction <add>, %reduce_sum3A_29, %reduce_sum3A_30 [1, 2] : vector<1x8x2xf32> to vector<1xf32>
    %reduce_sum3A_32 = vector.shape_cast %reduce_sum3A_31 : vector<1xf32> to vector<1x1x1xf32>
    %reduce_sum3A_33 = vector.extract %reduce_sum3A_32[0, 0, 0] : f32 from vector<1x1x1xf32>
    %gt3A = arith.constant 0.000000e+00 : f32
    %gt3A_34 = arith.cmpf ogt, %reduce_sum3A_33, %gt3A : f32
    %max3A = arith.constant 1.000000e+00 : f32
    %max3A_35 = arith.maximumf %reduce_sum3A_33, %max3A : f32
    %div3A = arith.divf %reduce_sum3A_21, %max3A_35 : f32
    %jit3A_36 = arith.constant 0.000000e+00 : f32
    %select_n3A_37 = arith.select %gt3A_34, %div3A, %jit3A_36 : f32
    %get3A_38 = arith.constant 0 : index
    %get3A_39 = arith.constant 0 : index
    %get3A_40 = memref.load %arg1[%get3A_38, %get3A_39] : memref<1x3xf32, #tpu.memory_space<smem>>
    %div3A_41 = arith.constant 4.014080e+05 : f32
    %div3A_42 = arith.divf %get3A_40, %div3A_41 : f32
    %get3A_43 = arith.constant 0 : index
    %get3A_44 = arith.constant 1 : index
    %get3A_45 = memref.load %arg1[%get3A_43, %get3A_44] : memref<1x3xf32, #tpu.memory_space<smem>>
    %get3A_46 = arith.constant 0 : index
    %get3A_47 = arith.constant 2 : index
    %get3A_48 = memref.load %arg1[%get3A_46, %get3A_47] : memref<1x3xf32, #tpu.memory_space<smem>>
    %gt3A_49 = arith.constant 0.000000e+00 : f32
    %gt3A_50 = arith.cmpf ogt, %get3A_48, %gt3A_49 : f32
    %max3A_51 = arith.constant 1.000000e+00 : f32
    %max3A_52 = arith.maximumf %get3A_48, %max3A_51 : f32
    %div3A_53 = arith.divf %get3A_45, %max3A_52 : f32
    %jit3A_54 = arith.constant 0.000000e+00 : f32
    %select_n3A_55 = arith.select %gt3A_50, %div3A_53, %jit3A_54 : f32
    %add3A_56 = arith.addf %select_n3A_55, %select_n3A_37 : f32
    %add3A_57 = arith.addf %add3A_56, %div3A_42 : f32
    %swap3A = arith.constant 0 : index
    %swap3A_58 = arith.constant 0 : index
    %swap3A_59 = memref.load %arg3[%swap3A, %swap3A_58] : memref<1x1xf32, #tpu.memory_space<smem>>
    memref.store %add3A_57, %arg3[%swap3A, %swap3A_58] : memref<1x1xf32, #tpu.memory_space<smem>>
    return
  }
}

module attributes {stable_mosaic.version = 14 : i64} {
  func.func @_dense_body(%arg0: i32, %arg1: memref<1x3x224x224xf32, #tpu.memory_space<vmem>>, %arg2: memref<1x3x224x224xf32, #tpu.memory_space<vmem>>, %arg3: memref<1x3xf32, #tpu.memory_space<smem>>, %arg4: memref<1x1x2xf32, #tpu.memory_space<vmem>>) attributes {dimension_semantics = [#tpu.dimension_semantics<arbitrary>], iteration_bounds = array<i64: 8>, scalar_prefetch = 0 : i64, scratch_operands = 0 : i64, tpu.core_type = #tpu.core_type<tc>, window_params = [{transform_indices = @transform_0, window_bounds = array<i64: 1, 3, 224, 224>}, {transform_indices = @transform_1, window_bounds = array<i64: 1, 3, 224, 224>}, {transform_indices = @transform_2, window_bounds = array<i64: 1, 3>}, {transform_indices = @transform_3, window_bounds = array<i64: 1, 1, 2>}]} {
    %get3A = arith.constant 0 : index
    %get3A_0 = arith.constant 0 : index
    %get3A_1 = arith.constant 0 : index
    %get3A_2 = arith.constant 0 : index
    %get3A_3 = vector.load %arg1[%get3A, %get3A_0, %get3A_1, %get3A_2] : memref<1x3x224x224xf32, #tpu.memory_space<vmem>>, vector<1x1x224x224xf32>
    %get3A_4 = vector.shape_cast %get3A_3 : vector<1x1x224x224xf32> to vector<224x224xf32>
    %get3A_5 = arith.constant 0 : index
    %get3A_6 = arith.constant 1 : index
    %get3A_7 = arith.constant 0 : index
    %get3A_8 = arith.constant 0 : index
    %get3A_9 = vector.load %arg1[%get3A_5, %get3A_6, %get3A_7, %get3A_8] : memref<1x3x224x224xf32, #tpu.memory_space<vmem>>, vector<1x1x224x224xf32>
    %get3A_10 = vector.shape_cast %get3A_9 : vector<1x1x224x224xf32> to vector<224x224xf32>
    %get3A_11 = arith.constant 0 : index
    %get3A_12 = arith.constant 0 : index
    %get3A_13 = arith.constant 0 : index
    %get3A_14 = arith.constant 0 : index
    %get3A_15 = vector.load %arg2[%get3A_11, %get3A_12, %get3A_13, %get3A_14] : memref<1x3x224x224xf32, #tpu.memory_space<vmem>>, vector<1x1x224x224xf32>
    %get3A_16 = vector.shape_cast %get3A_15 : vector<1x1x224x224xf32> to vector<224x224xf32>
    %get3A_17 = arith.constant 0 : index
    %get3A_18 = arith.constant 1 : index
    %get3A_19 = arith.constant 0 : index
    %get3A_20 = arith.constant 0 : index
    %get3A_21 = vector.load %arg2[%get3A_17, %get3A_18, %get3A_19, %get3A_20] : memref<1x3x224x224xf32, #tpu.memory_space<vmem>>, vector<1x1x224x224xf32>
    %get3A_22 = vector.shape_cast %get3A_21 : vector<1x1x224x224xf32> to vector<224x224xf32>
    %get3A_23 = arith.constant 0 : index
    %get3A_24 = arith.constant 2 : index
    %get3A_25 = arith.constant 0 : index
    %get3A_26 = arith.constant 0 : index
    %get3A_27 = vector.load %arg2[%get3A_23, %get3A_24, %get3A_25, %get3A_26] : memref<1x3x224x224xf32, #tpu.memory_space<vmem>>, vector<1x1x224x224xf32>
    %get3A_28 = vector.shape_cast %get3A_27 : vector<1x1x224x224xf32> to vector<224x224xf32>
    %mul3A = arith.mulf %get3A_28, %get3A_16 : vector<224x224xf32>
    %sub3A = arith.subf %get3A_28, %mul3A : vector<224x224xf32>
    %sub3A_29 = arith.constant 1.000000e+00 : f32
    %sub3A_30 = vector.broadcast %sub3A_29 : f32 to vector<224x224xf32>
    %sub3A_31 = arith.subf %sub3A_30, %get3A_22 : vector<224x224xf32>
    %mul3A_32 = arith.mulf %sub3A, %sub3A_31 : vector<224x224xf32>
    %sub3A_33 = arith.constant 1.000000e+00 : f32
    %sub3A_34 = vector.broadcast %sub3A_33 : f32 to vector<224x224xf32>
    %sub3A_35 = arith.subf %sub3A_34, %mul3A_32 : vector<224x224xf32>
    %ne3A = arith.constant 0.000000e+00 : f32
    %ne3A_36 = vector.broadcast %ne3A : f32 to vector<224x224xf32>
    %ne3A_37 = arith.cmpf one, %sub3A_35, %ne3A_36 : vector<224x224xf32>
    %jit3A = arith.constant 1.000000e+00 : f32
    %jit3A_38 = arith.constant 0.000000e+00 : f32
    %broadcast_in_dim3A = vector.broadcast %jit3A : f32 to vector<224x224xf32>
    %broadcast_in_dim3A_39 = vector.broadcast %jit3A_38 : f32 to vector<224x224xf32>
    %select_n3A = arith.select %ne3A_37, %broadcast_in_dim3A, %broadcast_in_dim3A_39 : vector<224x224xi1>, vector<224x224xf32>
    %eq3A = arith.constant 0 : i32
    %eq3A_40 = arith.cmpi eq, %arg0, %eq3A : i32
    %convert_element_type3A = arith.extui %eq3A_40 : i1 to i32
    %cond3A = arith.constant 0 : i32
    %cond3A_41 = arith.cmpi ne, %convert_element_type3A, %cond3A : i32
    scf.if %cond3A_41 {
      %swap3A_132 = arith.constant 0.000000e+00 : f32
      %swap3A_133 = arith.constant 0 : index
      %swap3A_134 = arith.constant 0 : index
      %swap3A_135 = memref.load %arg3[%swap3A_133, %swap3A_134] : memref<1x3xf32, #tpu.memory_space<smem>>
      memref.store %swap3A_132, %arg3[%swap3A_133, %swap3A_134] : memref<1x3xf32, #tpu.memory_space<smem>>
      %swap3A_136 = arith.constant 0.000000e+00 : f32
      %swap3A_137 = arith.constant 0 : index
      %swap3A_138 = arith.constant 1 : index
      %swap3A_139 = memref.load %arg3[%swap3A_137, %swap3A_138] : memref<1x3xf32, #tpu.memory_space<smem>>
      memref.store %swap3A_136, %arg3[%swap3A_137, %swap3A_138] : memref<1x3xf32, #tpu.memory_space<smem>>
      %swap3A_140 = arith.constant 0.000000e+00 : f32
      %swap3A_141 = arith.constant 0 : index
      %swap3A_142 = arith.constant 2 : index
      %swap3A_143 = memref.load %arg3[%swap3A_141, %swap3A_142] : memref<1x3xf32, #tpu.memory_space<smem>>
      memref.store %swap3A_140, %arg3[%swap3A_141, %swap3A_142] : memref<1x3xf32, #tpu.memory_space<smem>>
    } else {
    }
    %get3A_42 = arith.constant 0 : index
    %get3A_43 = arith.constant 0 : index
    %get3A_44 = memref.load %arg3[%get3A_42, %get3A_43] : memref<1x3xf32, #tpu.memory_space<smem>>
    %max3A = arith.constant 0.000000e+00 : f32
    %max3A_45 = vector.broadcast %max3A : f32 to vector<224x224xf32>
    %max3A_46 = arith.maximumf %get3A_4, %max3A_45 : vector<224x224xf32>
    %mul3A_47 = arith.mulf %get3A_4, %get3A_16 : vector<224x224xf32>
    %sub3A_48 = arith.subf %max3A_46, %mul3A_47 : vector<224x224xf32>
    %abs3A = math.absf %get3A_4 : vector<224x224xf32>
    %neg3A = arith.constant 0.000000e+00 : f32
    %neg3A_49 = vector.broadcast %neg3A : f32 to vector<224x224xf32>
    %neg3A_50 = arith.subf %neg3A_49, %abs3A : vector<224x224xf32>
    %exp3A = math.exp %neg3A_50 : vector<224x224xf32>
    %log1p3A = math.log1p %exp3A : vector<224x224xf32>
    %add3A = arith.addf %sub3A_48, %log1p3A : vector<224x224xf32>
    %reduce_sum3A = vector.shape_cast %add3A : vector<224x224xf32> to vector<1x224x224xf32>
    %reduce_sum3A_51 = arith.constant dense<0.000000e+00> : vector<1xf32>
    %reduce_sum3A_52 = vector.multi_reduction <add>, %reduce_sum3A, %reduce_sum3A_51 [1, 2] : vector<1x224x224xf32> to vector<1xf32>
    %reduce_sum3A_53 = vector.shape_cast %reduce_sum3A_52 : vector<1xf32> to vector<1x1x1xf32>
    %reduce_sum3A_54 = vector.extract %reduce_sum3A_53[0, 0, 0] : f32 from vector<1x1x1xf32>
    %add3A_55 = arith.addf %get3A_44, %reduce_sum3A_54 : f32
    %swap3A = arith.constant 0 : index
    %swap3A_56 = arith.constant 0 : index
    %swap3A_57 = memref.load %arg3[%swap3A, %swap3A_56] : memref<1x3xf32, #tpu.memory_space<smem>>
    memref.store %add3A_55, %arg3[%swap3A, %swap3A_56] : memref<1x3xf32, #tpu.memory_space<smem>>
    %get3A_58 = arith.constant 0 : index
    %get3A_59 = arith.constant 1 : index
    %get3A_60 = memref.load %arg3[%get3A_58, %get3A_59] : memref<1x3xf32, #tpu.memory_space<smem>>
    %max3A_61 = arith.constant 0.000000e+00 : f32
    %max3A_62 = vector.broadcast %max3A_61 : f32 to vector<224x224xf32>
    %max3A_63 = arith.maximumf %get3A_10, %max3A_62 : vector<224x224xf32>
    %mul3A_64 = arith.mulf %get3A_10, %get3A_22 : vector<224x224xf32>
    %sub3A_65 = arith.subf %max3A_63, %mul3A_64 : vector<224x224xf32>
    %abs3A_66 = math.absf %get3A_10 : vector<224x224xf32>
    %neg3A_67 = arith.constant 0.000000e+00 : f32
    %neg3A_68 = vector.broadcast %neg3A_67 : f32 to vector<224x224xf32>
    %neg3A_69 = arith.subf %neg3A_68, %abs3A_66 : vector<224x224xf32>
    %exp3A_70 = math.exp %neg3A_69 : vector<224x224xf32>
    %log1p3A_71 = math.log1p %exp3A_70 : vector<224x224xf32>
    %add3A_72 = arith.addf %sub3A_65, %log1p3A_71 : vector<224x224xf32>
    %mul3A_73 = arith.mulf %add3A_72, %select_n3A : vector<224x224xf32>
    %reduce_sum3A_74 = vector.shape_cast %mul3A_73 : vector<224x224xf32> to vector<1x224x224xf32>
    %reduce_sum3A_75 = arith.constant dense<0.000000e+00> : vector<1xf32>
    %reduce_sum3A_76 = vector.multi_reduction <add>, %reduce_sum3A_74, %reduce_sum3A_75 [1, 2] : vector<1x224x224xf32> to vector<1xf32>
    %reduce_sum3A_77 = vector.shape_cast %reduce_sum3A_76 : vector<1xf32> to vector<1x1x1xf32>
    %reduce_sum3A_78 = vector.extract %reduce_sum3A_77[0, 0, 0] : f32 from vector<1x1x1xf32>
    %add3A_79 = arith.addf %get3A_60, %reduce_sum3A_78 : f32
    %swap3A_80 = arith.constant 0 : index
    %swap3A_81 = arith.constant 1 : index
    %swap3A_82 = memref.load %arg3[%swap3A_80, %swap3A_81] : memref<1x3xf32, #tpu.memory_space<smem>>
    memref.store %add3A_79, %arg3[%swap3A_80, %swap3A_81] : memref<1x3xf32, #tpu.memory_space<smem>>
    %get3A_83 = arith.constant 0 : index
    %get3A_84 = arith.constant 2 : index
    %get3A_85 = memref.load %arg3[%get3A_83, %get3A_84] : memref<1x3xf32, #tpu.memory_space<smem>>
    %reduce_sum3A_86 = vector.shape_cast %select_n3A : vector<224x224xf32> to vector<1x224x224xf32>
    %reduce_sum3A_87 = arith.constant dense<0.000000e+00> : vector<1xf32>
    %reduce_sum3A_88 = vector.multi_reduction <add>, %reduce_sum3A_86, %reduce_sum3A_87 [1, 2] : vector<1x224x224xf32> to vector<1xf32>
    %reduce_sum3A_89 = vector.shape_cast %reduce_sum3A_88 : vector<1xf32> to vector<1x1x1xf32>
    %reduce_sum3A_90 = vector.extract %reduce_sum3A_89[0, 0, 0] : f32 from vector<1x1x1xf32>
    %add3A_91 = arith.addf %get3A_85, %reduce_sum3A_90 : f32
    %swap3A_92 = arith.constant 0 : index
    %swap3A_93 = arith.constant 2 : index
    %swap3A_94 = memref.load %arg3[%swap3A_92, %swap3A_93] : memref<1x3xf32, #tpu.memory_space<smem>>
    memref.store %add3A_91, %arg3[%swap3A_92, %swap3A_93] : memref<1x3xf32, #tpu.memory_space<smem>>
    %get3A_95 = arith.constant 0 : index
    %get3A_96 = arith.constant 2 : index
    %get3A_97 = arith.constant 160 : index
    %get3A_98 = arith.constant 0 : index
    %get3A_99 = vector.load %arg1[%get3A_95, %get3A_96, %get3A_97, %get3A_98] : memref<1x3x224x224xf32, #tpu.memory_space<vmem>>, vector<1x1x64x224xf32>
    %get3A_100 = vector.shape_cast %get3A_99 : vector<1x1x64x224xf32> to vector<64x224xf32>
    %slice3A = vector.extract_strided_slice %get3A_16 {offsets = [160, 0], sizes = [64, 224], strides = [1, 1]} : vector<224x224xf32> to vector<64x224xf32>
    %slice3A_101 = vector.extract_strided_slice %get3A_28 {offsets = [160, 0], sizes = [64, 224], strides = [1, 1]} : vector<224x224xf32> to vector<64x224xf32>
    %mul3A_102 = arith.mulf %slice3A_101, %slice3A : vector<64x224xf32>
    %sub3A_103 = arith.subf %slice3A_101, %mul3A_102 : vector<64x224xf32>
    %reduce_sum3A_104 = vector.shape_cast %slice3A_101 : vector<64x224xf32> to vector<1x64x224xf32>
    %reduce_sum3A_105 = arith.constant dense<0.000000e+00> : vector<1xf32>
    %reduce_sum3A_106 = vector.multi_reduction <add>, %reduce_sum3A_104, %reduce_sum3A_105 [1, 2] : vector<1x64x224xf32> to vector<1xf32>
    %reduce_sum3A_107 = vector.shape_cast %reduce_sum3A_106 : vector<1xf32> to vector<1x1x1xf32>
    %reduce_sum3A_108 = vector.extract %reduce_sum3A_107[0, 0, 0] : f32 from vector<1x1x1xf32>
    %max3A_109 = arith.constant 0.000000e+00 : f32
    %max3A_110 = vector.broadcast %max3A_109 : f32 to vector<64x224xf32>
    %max3A_111 = arith.maximumf %get3A_100, %max3A_110 : vector<64x224xf32>
    %mul3A_112 = arith.mulf %get3A_100, %sub3A_103 : vector<64x224xf32>
    %sub3A_113 = arith.subf %max3A_111, %mul3A_112 : vector<64x224xf32>
    %abs3A_114 = math.absf %get3A_100 : vector<64x224xf32>
    %neg3A_115 = arith.constant 0.000000e+00 : f32
    %neg3A_116 = vector.broadcast %neg3A_115 : f32 to vector<64x224xf32>
    %neg3A_117 = arith.subf %neg3A_116, %abs3A_114 : vector<64x224xf32>
    %exp3A_118 = math.exp %neg3A_117 : vector<64x224xf32>
    %log1p3A_119 = math.log1p %exp3A_118 : vector<64x224xf32>
    %add3A_120 = arith.addf %sub3A_113, %log1p3A_119 : vector<64x224xf32>
    %reduce_sum3A_121 = vector.shape_cast %add3A_120 : vector<64x224xf32> to vector<1x64x224xf32>
    %reduce_sum3A_122 = arith.constant dense<0.000000e+00> : vector<1xf32>
    %reduce_sum3A_123 = vector.multi_reduction <add>, %reduce_sum3A_121, %reduce_sum3A_122 [1, 2] : vector<1x64x224xf32> to vector<1xf32>
    %reduce_sum3A_124 = vector.shape_cast %reduce_sum3A_123 : vector<1xf32> to vector<1x1x1xf32>
    %reduce_sum3A_125 = vector.extract %reduce_sum3A_124[0, 0, 0] : f32 from vector<1x1x1xf32>
    %stack3A = vector.broadcast %reduce_sum3A_108 : f32 to vector<1xf32>
    %stack3A_126 = vector.broadcast %reduce_sum3A_125 : f32 to vector<1xf32>
    %stack3A_127 = tpu.concatenate %stack3A, %stack3A_126 in 0 : vector<1xf32>, vector<1xf32> -> vector<2xf32>
    %reshape3A = vector.shape_cast %stack3A_127 : vector<2xf32> to vector<1x1x2xf32>
    %swap3A_128 = arith.constant 0 : index
    %swap3A_129 = arith.constant 0 : index
    %swap3A_130 = arith.constant 0 : index
    %swap3A_131 = vector.load %arg4[%swap3A_128, %swap3A_129, %swap3A_130] : memref<1x1x2xf32, #tpu.memory_space<vmem>>, vector<1x1x2xf32>
    tpu.vector_store %arg4[%swap3A_128, %swap3A_129, %swap3A_130], %reshape3A {strides = array<i32>} : memref<1x1x2xf32, #tpu.memory_space<vmem>>, vector<1x1x2xf32>,
    return
  }
  func.func @transform_0(%arg0: i32) -> (i32, i32, i32, i32) {
    %c0_i32 = arith.constant 0 : i32
    %c0_i32_0 = arith.constant 0 : i32
    %c0_i32_1 = arith.constant 0 : i32
    %c0_i32_2 = arith.constant 0 : i32
    return %arg0, %c0_i32, %c0_i32_0, %c0_i32_1 : i32, i32, i32, i32
  }
  func.func @transform_1(%arg0: i32) -> (i32, i32, i32, i32) {
    %c0_i32 = arith.constant 0 : i32
    %c0_i32_0 = arith.constant 0 : i32
    %c0_i32_1 = arith.constant 0 : i32
    %c0_i32_2 = arith.constant 0 : i32
    return %arg0, %c0_i32, %c0_i32_0, %c0_i32_1 : i32, i32, i32, i32
  }
  func.func @transform_2(%arg0: i32) -> (i32, i32) {
    %c0_i32 = arith.constant 0 : i32
    %c0_i32_0 = arith.constant 0 : i32
    %c0_i32_1 = arith.constant 0 : i32
    return %c0_i32, %c0_i32_0 : i32, i32
  }
  func.func @transform_3(%arg0: i32) -> (i32, i32, i32) {
    %c0_i32 = arith.constant 0 : i32
    %c0_i32_0 = arith.constant 0 : i32
    %c0_i32_1 = arith.constant 0 : i32
    return %arg0, %c0_i32, %c0_i32_0 : i32, i32, i32
  }
}

</mosaic_0001>

<sc_bundles>
// kernel: kernel.5.cloned.1.call-start
scs
__scs_entry_jumppad:
0x0: {  	(pc) =	sbr.rel $0x88, $3  }
0x1: {  	(tag) =	ssettag $0x0;
	lr =	simm.s32 $0x1  }
0x2: {  	[smem:$0x3F9F] =	sst lr;
	_ =	strace $0xD0000000  }
0x3: {  	_ = 	snop  }
0x4: {  	_ = 	snop  }
0x5: {  	_ = 	snop  }
0x6: {  	_ = 	snop  }
0x7: {  	_ = 	snop  }
__scs_overlays_trampoline_lowered:
0x8: {  	[smem:$0x3FAE] =	sst s0  }
0x9: {  	[smem:$0x3FAF] =	sst s1  }
0xa: {  	[smem:$0x3FB0] =	sst s2  }
0xb: {  	[smem:$0x3FB1] =	sst s3  }
0xc: {  	[smem:$0x3FB2] =	sst s4  }
0xd: {  	[smem:$0x3FB3] =	sst s5  }
0xe: {  	[smem:$0x3FB4] =	sst s6  }
0xf: {  	[smem:$0x3FB5] =	sst s7  }
0x10: {  	[smem:$0x3FB6] =	sst s8  }
0x11: {  	[smem:$0x3FB7] =	sst s9;
	s0 =	simm.s32 @!p0 $0x0  }
0x12: {  	s1 =	sld [smem:$0x3F9D];
	s0 =	simm.s32 @p0 $0x1  }
0x13: {  	[smem:$0x3FB8] =	sst s0;
	s0 =	simm.s32 @!p1 $0x0  }
0x14: {  	s2 =	sld [smem:$0x3F9C];
	s0 =	simm.s32 @p1 $0x1  }
0x15: {  	[smem:$0x3FB9] =	sst s0;
	s0 =	simm.s32 @!p2 $0x0  }
0x16: {  	s3 =	sld [smem:$0x3FDB];
	s0 =	simm.s32 @p2 $0x1  }
0x17: {  	s4 =	simm.s32 $0x1BF5;
	[smem:$0x3FBB] =	sst s0  }
0x18: {  	s0 =	sld [smem:$0x3F9E];
	_ =	swait.ge [sflag:s4], $0x0  }
0x19: {  	s7 =	sld [smem:$0x3F9F]  }
0x1a: {  	s8 =	sadd.s32 $0xFFFFE003, lr  }
0x1b: {  	s9 =	sadd.s32 $0xFFFFFEF7, lr;
	s5 =	simm.s32 $0xFFFFFFFF;
	p2 =	slt.u32 s8, $0xFFFFF086  }
0x1c: {  	p1 =	slt.u32 s9, $0xF7A;
	s5 =	simm.s32 @!p2 $0x0  }
0x1d: {  	s5 =	simm.s32 @p1 $0x1;
	p0 =	seq.s32 s7, s2  }
0x1e: {  	s7 =	smul.u32 @!p0 $0xF7A, s2;
	p2 =	seq.s32 @!p0 s5, $0x0  }
0x1f: {  	s9 =	smul.u32 $0xF7A, s1;
	s8 =	simm.s32 @!p0 $0x1BF5;
	p2 =	por !p2, p0  }
0x20: {  	[sflag:s8] =	ssyncset.s32 @!p0 $0xFFFFF086;
	s6 =	sadd.s32 @!p0 s3, s7;
	s7 =	simm.s32 @!p0 $0x108  }
0x21: {  	s3 =	sadd.s32 s3, s9;
	s6 =	sadd.s32 @!p0 $0x88, s6;
	s7 =	simm.s32 @p2 $0x1082  }
0x22: {  	[simem:s7], [sflag:s8] =	dma.local @!p0 [hbm:s6], $0xF7A  }
0x23: {  	s9 =	sor.u32 $0xD0000000, s2;
	s6 =	simm.s32 $0x108;
	_ =	swait.ge @!p0 [sflag:s8], $0x0  }
0x24: {  	s3 =	sadd.s32 $0x88, s3;
	s6 =	simm.s32 @!p1 $0x1082;
	[sflag:s4] =	ssyncset.s32 $0xFFFFF086  }
0x25: {  	[simem:s6], [sflag:s4] =	dma.local [hbm:s3], $0xF7A  }
0x26: {  	[smem:$0x3F9F] =	sst s1;
	(tag) =	ssettag s2;
	_ =	strace s9  }
0x27: {  	s1 =	sld [smem:$0x3FAF]  }
0x28: {  	s2 =	sld [smem:$0x3FB0]  }
0x29: {  	s4 =	sld [smem:$0x3FB2]  }
0x2a: {  	p0 =	seq.s32 s5, $0x0;
	s5 =	sld [smem:$0x3FB3]  }
0x2b: {  	s6 =	sld [smem:$0x3FB4]  }
0x2c: {  	s7 =	sld [smem:$0x3FB5]  }
0x2d: {  	s3 =	simm.s32 $0x108;
	s8 =	sld [smem:$0x3FB6]  }
0x2e: {  	s3 =	simm.s32 @!p0 $0x1082;
	s9 =	sld [smem:$0x3FB7]  }
0x2f: {  	lr =	sadd.s32 s0, s3;
	s0 =	sld [smem:$0x3FAE]  }
0x30: {  	s3 =	sld [smem:$0x3FB1]  }
0x31: {  	[smem:$0x3FBA] =	sst s10  }
0x32: {  	s10 =	sld [smem:$0x3FB8];
	_ =	sdelay $0x3  }
0x33: {  	p0 =	seq.s32 s10, $0x1;
	s10 =	sld [smem:$0x3FBA];
	_ =	sdelay $0x3  }
0x34: {  	[smem:$0x3FBA] =	sst s10  }
0x35: {  	s10 =	sld [smem:$0x3FB9];
	_ =	sdelay $0x3  }
0x36: {  	p1 =	seq.s32 s10, $0x1;
	s10 =	sld [smem:$0x3FBA];
	_ =	sdelay $0x3  }
0x37: {  	[smem:$0x3FBA] =	sst s10  }
0x38: {  	s10 =	sld [smem:$0x3FBB]  }
0x39: {  	_ = 	snop;
	(pc) =	sbr.ind lr, $3  }
0x3a: {  	_ = 	snop  }
0x3b: {  	_ = 	snop  }
0x3c: {  	p2 =	seq.s32 s10, $0x1;
	s10 =	sld [smem:$0x3FBA]  }
0x3d: {  	_ =	shalt  }
0x3e: {  	_ =	shalt  }
0x3f: {  	_ =	shalt  }
0x40: {  	_ =	shalt  }
0x41: {  	_ =	shalt  }
0x42: {  	_ =	shalt  }
0x43: {  	_ =	shalt  }
0x44: {  	_ =	shalt  }
0x45: {  	_ =	shalt  }
0x46: {  	_ =	shalt  }
0x47: {  	_ =	shalt  }
0x48: {  	_ =	shalt  }
0x49: {  	_ =	shalt  }
0x4a: {  	_ =	shalt  }
0x4b: {  	_ =	shalt  }
0x4c: {  	_ =	shalt  }
0x4d: {  	_ =	shalt  }
0x4e: {  	_ =	shalt  }
0x4f: {  	_ =	shalt  }
0x50: {  	_ =	shalt  }
0x51: {  	_ =	shalt  }
0x52: {  	_ =	shalt  }
0x53: {  	_ =	shalt  }
0x54: {  	_ =	shalt  }
0x55: {  	_ =	shalt  }
0x56: {  	_ =	shalt  }
0x57: {  	_ =	shalt  }
0x58: {  	_ =	shalt  }
0x59: {  	_ =	shalt  }
0x5a: {  	_ =	shalt  }
0x5b: {  	_ =	shalt  }
0x5c: {  	_ =	shalt  }
0x5d: {  	_ =	shalt  }
0x5e: {  	_ =	shalt  }
0x5f: {  	_ =	shalt  }
0x60: {  	_ =	shalt  }
0x61: {  	_ =	shalt  }
0x62: {  	_ =	shalt  }
0x63: {  	_ =	shalt  }
0x64: {  	_ =	shalt  }
0x65: {  	_ =	shalt  }
0x66: {  	_ =	shalt  }
0x67: {  	_ =	shalt  }
0x68: {  	_ =	shalt  }
0x69: {  	_ =	shalt  }
0x6a: {  	_ =	shalt  }
0x6b: {  	_ =	shalt  }
0x6c: {  	_ =	shalt  }
0x6d: {  	_ =	shalt  }
0x6e: {  	_ =	shalt  }
0x6f: {  	_ =	shalt  }
0x70: {  	_ =	shalt  }
0x71: {  	_ =	shalt  }
0x72: {  	_ =	shalt  }
0x73: {  	_ =	shalt  }
0x74: {  	_ =	shalt  }
0x75: {  	_ =	shalt  }
0x76: {  	_ =	shalt  }
0x77: {  	_ =	shalt  }
0x78: {  	_ =	shalt  }
0x79: {  	_ =	shalt  }
0x7a: {  	_ =	shalt  }
0x7b: {  	_ =	shalt  }
0x7c: {  	_ =	shalt  }
0x7d: {  	_ =	shalt  }
0x7e: {  	_ =	shalt  }
0x7f: {  	_ =	shalt  }
0x80: {  	_ =	shalt  }
0x81: {  	_ =	shalt  }
0x82: {  	_ =	shalt  }
0x83: {  	_ =	shalt  }
0x84: {  	_ =	shalt  }
0x85: {  	_ =	shalt  }
0x86: {  	_ =	shalt  }
0x87: {  	_ =	shalt  }
.Lfunc_end0:
.L_simem_size_0:
called_computation_lowered:
.L_overlay_start_0:
0x88: {  	s2 =	sld [smem:$0x3FD9]  }
0x89: {  	s3 =	sld [smem:$0x3FFE];
	_ =	sdelay $0x1  }
0x8a: {  	s1 =	srdreg.scid  }
0x8b: {  	s0 =	sand.u32 $0x1, s1  }
0x8c: {  	s17 =	sshll.u32 s0, $0xA;
	s2 =	sadd.s32 s3, s2  }
0x8d: {  	s2 =	sadd.s32 s2, s17  }
0x8e: {  	[smem:$0x3FC6] =	sst s2  }
0x8f: {  	_ = 	snop  }
0x90: {  	s2 =	sld [smem:$0x3FC9]  }
0x91: {  	s18 =	sld [smem:$0x3FC8];
	(tm) =	ssettm $0x1  }
0x92: {  	s4 =	sld [smem:$0x3FFB];
	_ =	sdelay $0x3  }
0x93: {  	_ =	strace s4  }
0x94: {  	s4 =	sld [smem:$0x3FFC];
	_ =	sdelay $0x3  }
0x95: {  	_ =	strace s4  }
0x96: {  	s4 =	sld [smem:$0x3FFD];
	_ =	sdelay $0x3  }
0x97: {  	_ =	strace s4  }
0x98: {  	_ =	strace $0x8FFFFFFF  }
0x99: {  	s19 =	sld [smem:$0x3FDB];
	_ =	sdelay $0x1  }
0x9a: {  	s5 =	simm.s32 $_scs_section_size  }
0x9b: {  	s6 =	simm.s32 $_size__tile_overlayer_lowered;
	s7 =	simm.s32 $_tile_overlayer_lowered  }
0x9c: {  	s22 =	simm.s32 $0x1BFF;
	s21 =	sshll.u32 s7, $0x1;
	s4 =	sadd.s32 s5, s19  }
0x9d: {  	s8 =	simm.s32 $0x0;
	s20 =	sshll.u32 s6, $0x1;
	s6 =	sadd.s32 s21, s4  }
0x9e: {  	[timem:s8], [sflag:s22] =	dma.local [hbm:s6], s20  }
0x9f: {  	_ =	swait.ge [sflag:s22], s20  }
0xa0: {  	s5 =	ssub.s32 $0x0, s20;
	[sflag:s22] =	ssyncset.done $0x0  }
0xa1: {  	[sflag:s22] =	ssyncadd.s32 s5;
	_ =	sdelay $0x1  }
0xa2: {  	s23 =	simm.s32 $0x1B8B  }
0xa3: {  	_ =	swait.ge [sflag:s23], $0x1  }
0xa4: {  	[sflag:s23] =	ssyncset.done $0x0  }
0xa5: {  	s25 =	simm.s32 $0x1B8E;
	s24 =	sld [smem:$0x3FFE];
	[sflag:s23] =	ssyncadd.s32 $0xFFFFFFFF  }
0xa6: {  	s26 =	simm.s32 $execute0_lowered;
	[smem:$0x3FD2] =	sst s25  }
0xa7: {  	s6 =	sshll.u32 s26, $0x1;
	_ =	strace $0x80000046;
	[dreg:$0x1] =	wrdreg $0xFFFFFFFF  }
0xa8: {  	s28 =	simm.s32 $_size_execute0_lowered;
	s4 =	sadd.s32 s4, s6;
	[dreg:$0x0] =	wrdreg $0x0  }
0xa9: {  	s6 =	sshll.u32 s28, $0x1;
	[dreg:$0x2] =	wrdreg s4  }
0xaa: {  	[dreg:$0x3] =	wrdreg s6  }
0xab: {  	[dreg:$0x4] =	wrdreg $0xC0  }
0xac: {  	_ =	task [dreg:s8], $0x5FFFF  }
0xad: {  	[dreg:$0x1] =	wrdreg $0xFFFFFFFF  }
0xae: {  	[dreg:$0x0] =	wrdreg $0x60  }
0xaf: {  	[dreg:$0x2] =	wrdreg s2  }
0xb0: {  	[dreg:$0x3] =	wrdreg s18  }
0xb1: {  	[dreg:$0x4] =	wrdreg s24  }
0xb2: {  	[dreg:$0x5] =	wrdreg $0x9  }
0xb3: {  	_ =	task.clear_ibuf [dreg:s8], $0x6FFFF;
	_ =	strace $0x90000046  }
0xb4: {  	s29 =	simm.s32 $0x9;
	_ =	strace $0x80000048  }
0xb5: {  	_ =	swait.ge [sflag:s29], $0x1  }
0xb6: {  	[sflag:s29] =	ssyncadd.s32 $0xFFFFFFFF  }
0xb7: {  	_ =	strace $0x90000048  }
0xb8: {  	_ =	sfence  }
0xb9: {  	s30 =	sld [smem:$0x0];
	_ =	sdelay $0x2  }
0xba: {  	s31 =	sshll.u32 s1, $0xD;
	s1 =	sshrl.u32 s1, $0x2  }
0xbb: {  	s3 =	sand.u32 $0x4000, s31;
	s1 =	sadd.s32 s1, s30  }
0xbc: {  	s0 =	sor.u32 s3, s0;
	s1 =	sshll.u32 s1, $0x11  }
0xbd: {  	s0 =	sor.u32 s1, s0  }
0xbe: {  	s0 =	sadd.s32 $0x8F2B, s0  }
0xbf: {  	[sflag:s0] =	ssyncadd.remote.s32 $0x1  }
0xc0: {  	_ =	sfence.sel $0xFFFF  }
0xc1: {  	[dreg:$0x0] =	wrdreg $0xFFFFFFFF;
	(pc) =	sbr.abs _section_cstart, $3  }
0xc2: {  	[dreg:$0x1] =	wrdreg $0xFFFFFFFF  }
0xc3: {  	_ =	task.clear_ibuf [dreg:s8], $0x2FFFF;
	_ =	strace $0x9FFFFFFF  }
0xc4: {  	(tm) =	ssettm $0x7FFFFFFF  }
0xc5: {  	_ =	shalt  }
tec
execute0_lowered:
.L_overlay_start_1:
0x0: {  	(tag) =	ssettag $0x1  }
0x1: {  	s0 =	srdreg.scid;
	s3 =	rddreg [dreg:$0x1]  }
0x2: {  	s2 =	stileid.u32;
	s7 =	rddreg [dreg:$0x2]  }
0x3: {  	s21 =	simm.s32 $0x3;
	s22 =	simm.s32 $0x0;
	s28 =	simm.s32 $0x0  }
0x4: {  	s0 =	sand.u32 $0x1, s0;
	s1 =	sshll.u32 s2, $0x1;
	s5 =	sshrl.u32 s2, $0x1  }
0x5: {  	s1 =	sor.u32 s0, s1;
	s6 =	smul.u32 $0x1FFFFFEC, s5;
	s0 =	ssub.s32 $0x2, s0  }
0x6: {  	s4 =	smul.u32 $0x5, s1;
	s1 =	sshll.u32 s1, $0x5;
	s10 =	sshrl.u32 s0, $0x1  }
0x7: {  	s2 =	rddreg [dreg:$0x0];
	s1 =	sadd.s32 s1, s7;
	s0 =	ssub.s32 s0, s10  }
0x8: {  	s6 =	sadd.s32 s6, s4;
	s4 =	smul.u32 $0x2A000, s5;
	s5 =	simm.s32 $0x0  }
0x9: {  	s13 =	sadd.s32 $0xC00, s1;
	s14 =	smax.u32 s0, $0x1;
	s8 =	sshll.u32 s6, $0xB  }
0xa: {  	[smem:$0x7FF] =	sst s5;
	s12 =	sadd.s32 $0x2, s6;
	s8 =	sadd.s32 s4, s8  }
0xb: {  	_ =	strace $0x80000047;
	s9 =	sadd.s32 $0x1C000, s8;
	s26 =	sshrl.u32 s8, $0x3  }
0xc: {  	s29 =	sadd.s32 $0x800, s8;
	s9 =	sshrl.u32 s9, $0x3;
	s7 =	sadd.s32 s3, s26  }
0xd: {  	s8 =	sadd.s32 $0x1C800, s8;
	s25 =	sadd.s32 s2, s9;
	[dreg:$0x5] =	wrdreg s7  }
0xe: {  	s11 =	sshrl.u32 s8, $0x3;
	s30 =	sadd.s32 s3, s9;
	[dreg:$0x4] =	wrdreg s25  }
0xf: {  	s10 =	sshrl.u32 s29, $0x3;
	s31 =	sadd.s32 s2, s11;
	[dreg:$0x6] =	wrdreg s30  }
0x10: {  	s10 =	sadd.s32 s3, s10;
	s11 =	sadd.s32 s3, s11;
	[dreg:$0x7] =	wrdreg s31  }
.LBB2_1:
0x11: {  	s0 =	rddreg [dreg:$0x4]  }
0x12: {  	[tilespmem:s5], [sflag:$0x1] =	stream.linear.gather [hbm4b:s0+s5], $0x800, $0x38;
	[tilespmem:$0x3100] =	vst v63  }
0x13: {  	s23 =	rddreg [dreg:$0x5];
	s1 =	simm.s32 $0x800  }
0x14: {  	[tilespmem:s1], [sflag:$0x1] =	stream.linear.gather [hbm4b:s23+s5], $0x800, $0x38;
	[tilespmem:$0x3100] =	vst v63  }
0x15: {  	s24 =	rddreg [dreg:$0x6];
	s25 =	simm.s32 $0x1000  }
0x16: {  	[tilespmem:s25], [sflag:$0x1] =	stream.linear.gather [hbm4b:s24+s5], $0x800, $0x38;
	[tilespmem:$0x3100] =	vst v63  }
0x17: {  	s26 =	rddreg [dreg:$0x7];
	s29 =	simm.s32 $0x1800  }
0x18: {  	[tilespmem:s29], [sflag:$0x2] =	stream.linear.gather [hbm4b:s26+s5], $0x800, $0x38;
	[tilespmem:$0x3100] =	vst v63  }
0x19: {  	s30 =	simm.s32 $0x2000  }
0x1a: {  	[tilespmem:s30], [sflag:$0x2] =	stream.linear.gather [hbm4b:s10+s5], $0x800, $0x38;
	[tilespmem:$0x3100] =	vst v63  }
0x1b: {  	s31 =	simm.s32 $0x2800;
	s23 =	simm.s32 $0x0  }
0x1c: {  	v9 =	vimm.f32 $0.0e+00;
	v10 =	vimm.f32 $0.0e+00;
	[tilespmem:s31], [sflag:$0x2] =	stream.linear.gather [hbm4b:s11+s5], $0x800, $0x38;
	[tilespmem:$0x3100] =	vst v63  }
.LBB2_2:
0x1d: {  	s0 =	sand.u32 $0x1, s23  }
0x1e: {  	s1 =	sadd.s32 $0x1, s0  }
0x1f: {  	_ =	swait.ge [sflag:s1], $0x800  }
0x20: {  	[sflag:s1] =	ssyncset.done $0x0  }
0x21: {  	p0 =	sgt.u32 s23, $0x2;
	[sflag:s1] =	ssyncadd.s32 $0xFFFFF800  }
0x22: {  	s29 =	simm.s32 $0x0;
	s6 =	sadd.s32 @!p0 s23, s12;
	_ =	swait.ge [sflag:s1], $0x800  }
0x23: {  	s15 =	smul.u32 @!p0 $0x6000, s0;
	s6 =	sshll.u32 @!p0 s6, $0xB;
	[sflag:s1] =	ssyncset.done $0x0  }
0x24: {  	s18 =	simm.s32 @!p0 $0x0;
	s6 =	sadd.s32 @!p0 s4, s6;
	[sflag:s1] =	ssyncadd.s32 $0xFFFFF800  }
0x25: {  	s0 =	smul.u32 $0x6000, s0;
	s6 =	sshrl.u32 @!p0 s6, $0x3;
	_ =	swait.ge [sflag:s1], $0x800  }
0x26: {  	s15 =	sshrl.u32 @!p0 s15, $0x2;
	s16 =	sadd.s32 @!p0 $0x3800, s6;
	[sflag:s1] =	ssyncset.done $0x0  }
0x27: {  	s24 =	sshrl.u32 s0, $0x2;
	s17 =	sadd.s32 @!p0 s2, s16;
	[sflag:s1] =	ssyncadd.s32 $0xFFFFF800  }
0x28: {  	[tilespmem:s15], [sflag:s1] =	stream.linear.gather @!p0 [hbm4b:s17+s18], $0x800, $0x38;
	[tilespmem:$0x3100] =	vst v63  }
0x29: {  	s25 =	sadd.s32 $0x800, s24;
	s6 =	sadd.s32 @!p0 s3, s6;
	s17 =	sadd.s32 @!p0 $0x800, s15  }
0x2a: {  	[tilespmem:s17], [sflag:s1] =	stream.linear.gather @!p0 [hbm4b:s6+s18], $0x800, $0x38;
	[tilespmem:$0x3100] =	vst v63  }
0x2b: {  	s26 =	sadd.s32 $0x1000, s24;
	s6 =	sadd.s32 @!p0 $0x1000, s15;
	s15 =	sadd.s32 @!p0 s3, s16  }
0x2c: {  	[tilespmem:s6], [sflag:s1] =	stream.linear.gather @!p0 [hbm4b:s15+s18], $0x800, $0x38;
	[tilespmem:$0x3100] =	vst v63  }
.LBB2_3:
0x2d: {  	s0 =	sshll.u32 s29, $0x7  }
0x2e: {  	s15 =	sand.u32 $0x60, s28;
	s17 =	sand.u32 $0x400, s28;
	s1 =	sadd.s32 s0, s24  }
0x2f: {  	s19 =	sor.u32 $0x10, s15;
	s6 =	sadd.s32 s17, s1  }
0x30: {  	s16 =	sadd.s32 s19, s6  }
0x31: {  	s6 =	sadd.s32 s15, s6;
	v4 =	vld [tilespmem:s16+$0x0]  }
0x32: {  	v8 =	vld [tilespmem:s6+$0x0];
	_ =	sdelay $0x3  }
0x33: {  	v0 =	vand.u32 $0x7FFFFFFF, v4  }
0x34: {  	v1 =	vand.u32 $0x7FFFFFFF, v8;
	v0 =	vsub.f32 $0.0e+00, v0  }
0x35: {  	v1 =	vsub.f32 $0.0e+00, v1  }
0x36: {  	v0 =	vmul.f32 $1.442695020e+00, v0  }
0x37: {  	v1 =	vmul.f32 $1.442695020e+00, v1  }
0x38: {  	(erf) = vpow2.f32 v0  }
0x39: {  	(erf) = vpow2.f32 v1  }
0x3a: {  	s20 =	simm.s32 $0x20;
	s7 =	simm.s32 $0x100  }
0x3b: {  	s18 =	sand.u32 $0x400, s7;
	s6 =	sand.u32 $0x60, s20  }
0x3c: {  	s20 =	sadd.s32 s18, s1;
	s16 =	sor.u32 $0x10, s6  }
0x3d: {  	s30 =	sadd.s32 s16, s20  }
0x3e: {  	v2 =	vld [tilespmem:s30+$0x0]  }
0x3f: {  	s20 =	sadd.s32 s6, s20  }
0x40: {  	v3 =	vld [tilespmem:s20+$0x0]  }
0x41: {  	v12 =	vpop (erf)  }
0x42: {  	v11 =	vpop (erf)  }
0x43: {  	v5 =	vand.u32 $0x7FFFFFFF, v2;
	v1 =	vmul.f32 $6.006604990e-03, v12;
	v0 =	vmul.f32 $6.006604990e-03, v11  }
0x44: {  	v5 =	vsub.f32 $0.0e+00, v5  }
0x45: {  	v6 =	vand.u32 $0x7FFFFFFF, v3;
	v1 =	vsub.f32 $3.426460180e-02, v1;
	v0 =	vsub.f32 $3.426460180e-02, v0  }
0x46: {  	v6 =	vsub.f32 $0.0e+00, v6;
	v5 =	vmul.f32 $1.442695020e+00, v5  }
0x47: {  	s31 =	sadd.s32 s0, s25;
	s30 =	sadd.s32 s0, s26;
	v1 =	vmul.f32 v1, v12;
	v0 =	vmul.f32 v0, v11  }
0x48: {  	s8 =	sadd.s32 s17, s31;
	s20 =	sadd.s32 s17, s30;
	v6 =	vmul.f32 $1.442695020e+00, v6  }
0x49: {  	s9 =	sadd.s32 s19, s8;
	s19 =	sadd.s32 s19, s20;
	(erf) = vpow2.f32 v5;
	v1 =	vadd.f32 $-9.229041640e-02, v1;
	v0 =	vadd.f32 $-9.229041640e-02, v0  }
0x4a: {  	v7 =	vld [tilespmem:s19+$0x0];
	(erf) = vpow2.f32 v6  }
0x4b: {  	s8 =	sadd.s32 s15, s8;
	v5 =	vld [tilespmem:s9+$0x0];
	s9 =	simm.s32 $0x40;
	v1 =	vmul.f32 v1, v12;
	v0 =	vmul.f32 v0, v11  }
0x4c: {  	s0 =	sand.u32 $0x60, s9;
	v6 =	vld [tilespmem:s8+$0x0];
	s9 =	sadd.s32 s15, s20  }
0x4d: {  	v19 =	vld [tilespmem:s9+$0x0];
	v1 =	vadd.f32 $1.649981290e-01, v1;
	v0 =	vadd.f32 $1.649981290e-01, v0  }
0x4e: {  	s7 =	simm.s32 $0x200  }
0x4f: {  	s17 =	sand.u32 $0x400, s7;
	v13 =	vmul.f32 v1, v12;
	v0 =	vmul.f32 v0, v11  }
0x50: {  	s19 =	sadd.s32 s17, s1;
	s15 =	sor.u32 $0x10, s0  }
0x51: {  	s20 =	sadd.s32 s15, s19;
	v13 =	vadd.f32 $-2.394333780e-01, v13;
	v14 =	vadd.f32 $-2.394333780e-01, v0  }
0x52: {  	v15 =	vmul.f32 v7, v5;
	v17 =	vmul.f32 v19, v6;
	v5 =	vpop (erf);
	v1 =	vld [tilespmem:s20+$0x0]  }
0x53: {  	s8 =	sadd.s32 s0, s19;
	v6 =	vpop (erf);
	v13 =	vmul.f32 v13, v12;
	v14 =	vmul.f32 v14, v11  }
0x54: {  	v17 =	vsub.f32 v19, v17;
	v20 =	vmul.f32 $6.006604990e-03, v5;
	v22 =	vmul.f32 $6.006604990e-03, v6;
	v0 =	vld [tilespmem:s8+$0x0]  }
0x55: {  	v18 =	vmax.f32 v8, $0.0e+00;
	v13 =	vadd.f32 $3.314466480e-01, v13;
	v14 =	vadd.f32 $3.314466480e-01, v14  }
0x56: {  	v8 =	vmul.f32 v17, v8;
	v20 =	vsub.f32 $3.426460180e-02, v20;
	v22 =	vsub.f32 $3.426460180e-02, v22  }
0x57: {  	v21 =	vand.u32 $0x7FFFFFFF, v1;
	v13 =	vmul.f32 v13, v12;
	v14 =	vmul.f32 v14, v11  }
0x58: {  	v20 =	vmul.f32 v20, v5;
	v22 =	vmul.f32 v22, v6;
	v21 =	vsub.f32 $0.0e+00, v21  }
0x59: {  	v23 =	vand.u32 $0x7FFFFFFF, v0;
	v13 =	vadd.f32 $-4.998255070e-01, v13;
	v14 =	vadd.f32 $-4.998255070e-01, v14  }
0x5a: {  	v20 =	vadd.f32 $-9.229041640e-02, v20;
	v21 =	vmul.f32 $1.442695020e+00, v21;
	v23 =	vsub.f32 $0.0e+00, v23  }
0x5b: {  	v13 =	vmul.f32 v13, v12;
	v14 =	vmul.f32 v14, v11  }
0x5c: {  	s7 =	sadd.s32 s18, s31;
	v22 =	vadd.f32 $-9.229041640e-02, v22;
	v20 =	vmul.f32 v20, v5;
	v23 =	vmul.f32 $1.442695020e+00, v23  }
0x5d: {  	s9 =	sadd.s32 s16, s7;
	s8 =	sadd.s32 s18, s30;
	(erf) = vpow2.f32 v21;
	v13 =	vadd.f32 $9.999936220e-01, v13;
	v14 =	vadd.f32 $9.999936220e-01, v14  }
0x5e: {  	s7 =	sadd.s32 s6, s7;
	v62 =	vld [tilespmem:s9+$0x0];
	v15 =	vsub.f32 v7, v15;
	s6 =	sadd.s32 s6, s8;
	v17 =	vmul.f32 v22, v6;
	(erf) = vpow2.f32 v23  }
0x5f: {  	s19 =	simm.s32 $0x60;
	s20 =	simm.s32 $0x300;
	s16 =	sadd.s32 s16, s8;
	v20 =	vadd.f32 $1.649981290e-01, v20;
	v12 =	vmul.f32 v13, v12;
	v13 =	vld [tilespmem:s6+$0x0];
	v14 =	vmul.f32 v14, v11  }
0x60: {  	v16 =	vmax.f32 v4, $0.0e+00;
	v4 =	vmul.f32 v15, v4;
	s18 =	sand.u32 $0x400, s20;
	v17 =	vadd.f32 $1.649981290e-01, v17;
	v11 =	vld [tilespmem:s16+$0x0];
	s16 =	sand.u32 $0x60, s19  }
0x61: {  	v8 =	vsub.f32 v18, v8;
	s8 =	sadd.s32 s18, s1;
	v15 =	vmul.f32 v20, v5;
	s19 =	sor.u32 $0x10, s16;
	v20 =	vadd.f32 $3.910905380e-08, v14;
	v14 =	vld [tilespmem:s7+$0x0]  }
0x62: {  	v10 =	vadd.f32 v19, v10;
	v16 =	vsub.f32 v16, v4;
	v18 =	vmul.f32 v17, v6;
	s9 =	sadd.s32 s19, s8  }
0x63: {  	v63 =	vadd.f32 $3.910905380e-08, v12;
	s7 =	sadd.s32 s16, s8;
	v4 =	vld [tilespmem:s9+$0x0];
	v20 =	vadd.f32 v20, v8  }
0x64: {  	v17 =	vadd.f32 $-2.394333780e-01, v15;
	v18 =	vadd.f32 $-2.394333780e-01, v18;
	v12 =	vmax.f32 v2, $0.0e+00;
	v8 =	vld [tilespmem:s7+$0x0]  }
0x65: {  	s6 =	simm.s32 $0x80;
	v16 =	vadd.f32 v63, v16;
	v15 =	vmul.f32 v11, v62;
	v9 =	vadd.f32 v20, v9  }
.LBB2_4:
0x66: {  	p0 =	sne.s32 s6, $0xC0;
	v14 =	vmul.f32 v13, v14;
	v18 =	vmul.f32 v18, v6;
	v19 =	vmax.f32 v3, $0.0e+00;
	v20 =	vmovc v13  }
0x67: {  	v17 =	vmul.f32 v17, v5;
	v13 =	vpop (erf);
	v10 =	vadd.f32 v7, v10;
	v9 =	vadd.f32 v16, v9  }
0x68: {  	v16 =	vand.u32 $0x7FFFFFFF, v4;
	v21 =	vmul.f32 $6.006604990e-03, v13;
	v22 =	vpop (erf);
	v18 =	vadd.f32 $3.314466480e-01, v18  }
0x69: {  	v7 =	vmovc v11;
	v17 =	vadd.f32 $3.314466480e-01, v17;
	v23 =	vand.u32 $0x7FFFFFFF, v8;
	v24 =	vmul.f32 $6.006604990e-03, v22  }
0x6a: {  	v11 =	vsub.f32 $0.0e+00, v16;
	v16 =	vsub.f32 $3.426460180e-02, v21;
	v18 =	vmul.f32 v18, v6  }
0x6b: {  	v21 =	vsub.f32 $0.0e+00, v23;
	v17 =	vmul.f32 v17, v5;
	v23 =	vsub.f32 $3.426460180e-02, v24  }
0x6c: {  	v15 =	vsub.f32 v7, v15;
	v16 =	vmul.f32 v16, v13;
	v18 =	vadd.f32 $-4.998255070e-01, v18  }
0x6d: {  	v14 =	vsub.f32 v20, v14;
	v17 =	vadd.f32 $-4.998255070e-01, v17;
	v23 =	vmul.f32 v23, v22  }
0x6e: {  	v11 =	vmul.f32 $1.442695020e+00, v11;
	v16 =	vadd.f32 $-9.229041640e-02, v16;
	v18 =	vmul.f32 v18, v6  }
0x6f: {  	s7 =	sadd.s32 s17, s31;
	v21 =	vmul.f32 $1.442695020e+00, v21;
	v17 =	vmul.f32 v17, v5;
	v23 =	vadd.f32 $-9.229041640e-02, v23  }
0x70: {  	s8 =	sadd.s32 s17, s30;
	s17 =	smov.u32 s18;
	s9 =	sadd.s32 s15, s7;
	v24 =	vmul.f32 v14, v3;
	v3 =	vmovc v0;
	v0 =	vmovc v8;
	v16 =	vmul.f32 v16, v13;
	v18 =	vadd.f32 $9.999936220e-01, v18  }
0x71: {  	v17 =	vadd.f32 $9.999936220e-01, v17;
	(erf) = vpow2.f32 v11;
	v8 =	vmul.f32 v23, v22;
	v23 =	vld [tilespmem:s9+$0x0];
	s9 =	sadd.s32 s15, s8;
	s15 =	smov.u32 s19  }
0x72: {  	s20 =	sadd.s32 $0x100, s20;
	s7 =	sadd.s32 s0, s7;
	(erf) = vpow2.f32 v21;
	v11 =	vld [tilespmem:s9+$0x0];
	v16 =	vadd.f32 $1.649981290e-01, v16;
	v18 =	vmul.f32 v18, v6;
	v6 =	vmovc v22  }
0x73: {  	s18 =	sand.u32 $0x400, s20;
	s0 =	sadd.s32 s0, s8;
	v15 =	vmul.f32 v15, v2;
	v2 =	vmovc v1;
	s9 =	sand.u32 $0x60, s6;
	v17 =	vmul.f32 v17, v5;
	v5 =	vmovc v13;
	v14 =	vld [tilespmem:s7+$0x0];
	v8 =	vadd.f32 $1.649981290e-01, v8  }
.Ltmp0:
0x74: {  	v1 =	vmovc v4;
	v19 =	vsub.f32 v19, v24;
	s7 =	sadd.s32 s18, s1;
	s19 =	sor.u32 $0x10, s9;
	v13 =	vld [tilespmem:s0+$0x0];
	v16 =	vmul.f32 v16, v5;
	v18 =	vadd.f32 $3.910905380e-08, v18;
	(pc) =	sbr.rel @p0 .LBB2_4-.Ltmp0, $4  }
0x75: {  	v15 =	vsub.f32 v12, v15;
	s8 =	sadd.s32 s19, s7;
	v22 =	vadd.f32 $3.910905380e-08, v17;
	s0 =	smov.u32 s16;
	s16 =	smov.u32 s9;
	v21 =	vmul.f32 v8, v6  }
0x76: {  	s7 =	sadd.s32 s16, s7;
	v4 =	vld [tilespmem:s8+$0x0];
	v17 =	vadd.f32 $-2.394333780e-01, v16;
	v19 =	vadd.f32 v18, v19  }
0x77: {  	v12 =	vmax.f32 v2, $0.0e+00;
	v16 =	vadd.f32 v22, v15;
	v8 =	vld [tilespmem:s7+$0x0];
	v18 =	vadd.f32 $-2.394333780e-01, v21  }
0x78: {  	v10 =	vadd.f32 v20, v10;
	s6 =	sadd.s32 $0x20, s6;
	v15 =	vmul.f32 v11, v23;
	v9 =	vadd.f32 v19, v9  }
0x79: {  	_ =	sdelay $0x1  }
0x7a: {  	v19 =	vand.u32 $0x7FFFFFFF, v4  }
0x7b: {  	v20 =	vand.u32 $0x7FFFFFFF, v8;
	v19 =	vsub.f32 $0.0e+00, v19  }
0x7c: {  	v20 =	vsub.f32 $0.0e+00, v20  }
0x7d: {  	v19 =	vmul.f32 $1.442695020e+00, v19  }
0x7e: {  	v20 =	vmul.f32 $1.442695020e+00, v20  }
0x7f: {  	v21 =	vpop (erf);
	(erf) = vpow2.f32 v19  }
0x80: {  	v18 =	vmul.f32 v18, v6;
	v22 =	vpop (erf);
	(erf) = vpow2.f32 v20  }
0x81: {  	v17 =	vmul.f32 v17, v5;
	v7 =	vadd.f32 v7, v10;
	v62 =	vmul.f32 $6.006604990e-03, v22  }
0x82: {  	v9 =	vadd.f32 v16, v9;
	v15 =	vsub.f32 v11, v15;
	v63 =	vmul.f32 $6.006604990e-03, v21  }
0x83: {  	v14 =	vmul.f32 v13, v14;
	v18 =	vadd.f32 $3.314466480e-01, v18;
	v19 =	vsub.f32 $3.426460180e-02, v62  }
0x84: {  	v23 =	vmax.f32 v3, $0.0e+00;
	v17 =	vadd.f32 $3.314466480e-01, v17;
	v20 =	vsub.f32 $3.426460180e-02, v63  }
0x85: {  	v14 =	vsub.f32 v13, v14;
	v18 =	vmul.f32 v18, v6;
	v19 =	vmul.f32 v19, v22  }
0x86: {  	v2 =	vmul.f32 v15, v2;
	v7 =	vadd.f32 v13, v7;
	v10 =	vmul.f32 v20, v21  }
0x87: {  	s1 =	sadd.s32 s17, s31;
	v17 =	vmul.f32 v17, v5;
	v18 =	vadd.f32 $-4.998255070e-01, v18;
	v25 =	vadd.f32 $-9.229041640e-02, v19  }
0x88: {  	s6 =	sadd.s32 s17, s30;
	s7 =	sadd.s32 s15, s1;
	s1 =	sadd.s32 s0, s1;
	v27 =	vmul.f32 v14, v3;
	v2 =	vsub.f32 v12, v2;
	v10 =	vadd.f32 $-9.229041640e-02, v10;
	v26 =	vpop (erf)  }
0x89: {  	s9 =	sadd.s32 s15, s6;
	s15 =	sadd.s32 s0, s6;
	v41 =	vld [tilespmem:s1+$0x0];
	v17 =	vadd.f32 $-4.998255070e-01, v17;
	v24 =	vmul.f32 v18, v6;
	v18 =	vmul.f32 v25, v22;
	v29 =	vpop (erf)  }
0x8a: {  	v43 =	vld [tilespmem:s15+$0x0];
	v7 =	vadd.f32 v11, v7;
	v10 =	vmul.f32 v10, v21;
	v32 =	vmul.f32 $6.006604990e-03, v29  }
0x8b: {  	v17 =	vmul.f32 v17, v5;
	v16 =	vadd.f32 $9.999936220e-01, v24;
	v31 =	vadd.f32 $1.649981290e-01, v18  }
0x8c: {  	v10 =	vadd.f32 $1.649981290e-01, v10;
	v34 =	vmul.f32 $6.006604990e-03, v26;
	v36 =	vsub.f32 $3.426460180e-02, v32  }
0x8d: {  	v3 =	vsub.f32 v23, v27;
	v30 =	vmul.f32 v16, v6;
	v35 =	vmul.f32 v31, v22  }
0x8e: {  	v10 =	vmul.f32 v10, v21;
	v14 =	vsub.f32 $3.426460180e-02, v34;
	v16 =	vmul.f32 v36, v29  }
0x8f: {  	v48 =	vmul.f32 v43, v41;
	v28 =	vadd.f32 $9.999936220e-01, v17;
	v15 =	vadd.f32 $-2.394333780e-01, v35  }
0x90: {  	v10 =	vadd.f32 $-2.394333780e-01, v10;
	v14 =	vmul.f32 v14, v26;
	v40 =	vadd.f32 $-9.229041640e-02, v16  }
0x91: {  	v51 =	vsub.f32 v43, v48;
	v33 =	vmul.f32 v28, v5;
	v39 =	vmul.f32 v15, v22  }
0x92: {  	v42 =	vmul.f32 v10, v21;
	v10 =	vadd.f32 $-9.229041640e-02, v14;
	v15 =	vmul.f32 v40, v29  }
0x93: {  	v6 =	vadd.f32 $3.910905380e-08, v30;
	v5 =	vadd.f32 $3.910905380e-08, v33  }
0x94: {  	v37 =	vld [tilespmem:s7+$0x0];
	v12 =	vadd.f32 $3.314466480e-01, v39;
	v46 =	vmul.f32 v10, v26;
	v15 =	vadd.f32 $1.649981290e-01, v15  }
0x95: {  	v49 =	vmax.f32 v0, $0.0e+00;
	v38 =	vld [tilespmem:s9+$0x0];
	v3 =	vadd.f32 v6, v3;
	v45 =	vadd.f32 $3.314466480e-01, v42  }
0x96: {  	v12 =	vmul.f32 v12, v22;
	v6 =	vadd.f32 $1.649981290e-01, v46;
	v47 =	vmul.f32 v15, v29  }
0x97: {  	v2 =	vadd.f32 v5, v2;
	v3 =	vadd.f32 v3, v9;
	v5 =	vmul.f32 v45, v21  }
0x98: {  	s17 =	sadd.s32 s18, s31;
	s18 =	sadd.s32 s18, s30;
	v9 =	vadd.f32 $-4.998255070e-01, v12;
	v6 =	vmul.f32 v6, v26;
	v12 =	vadd.f32 $-2.394333780e-01, v47  }
0x99: {  	s30 =	sadd.s32 s19, s18;
	v7 =	vadd.f32 v43, v7;
	v54 =	vmul.f32 v51, v0;
	v5 =	vadd.f32 $-4.998255070e-01, v5  }
0x9a: {  	s0 =	sadd.s32 s16, s17;
	v52 =	vld [tilespmem:s30+$0x0];
	v10 =	vmul.f32 v38, v37;
	v6 =	vadd.f32 $-2.394333780e-01, v6;
	v11 =	vmul.f32 v12, v29  }
0x9b: {  	s31 =	sadd.s32 s16, s18;
	v53 =	vld [tilespmem:s0+$0x0];
	v0 =	vsub.f32 v49, v54;
	v9 =	vmul.f32 v9, v22;
	v5 =	vmul.f32 v5, v21  }
0x9c: {  	s20 =	sadd.s32 s19, s17;
	v55 =	vld [tilespmem:s31+$0x0];
	v10 =	vsub.f32 v38, v10;
	v6 =	vmul.f32 v6, v26;
	v11 =	vadd.f32 $3.314466480e-01, v11  }
0x9d: {  	v44 =	vmax.f32 v1, $0.0e+00;
	v50 =	vadd.f32 $9.999936220e-01, v9;
	v9 =	vld [tilespmem:s20+$0x0];
	v5 =	vadd.f32 $9.999936220e-01, v5  }
0x9e: {  	v56 =	vmul.f32 v10, v1;
	v6 =	vadd.f32 $3.314466480e-01, v6;
	v10 =	vmul.f32 v11, v29  }
0x9f: {  	v2 =	vadd.f32 v2, v3;
	v3 =	vmul.f32 v50, v22;
	v5 =	vmul.f32 v5, v21  }
0xa0: {  	v1 =	vsub.f32 v44, v56;
	v6 =	vmul.f32 v6, v26;
	v10 =	vadd.f32 $-4.998255070e-01, v10  }
0xa1: {  	v58 =	vmul.f32 v55, v53;
	v3 =	vadd.f32 $3.910905380e-08, v3;
	v5 =	vadd.f32 $3.910905380e-08, v5  }
0xa2: {  	v57 =	vmul.f32 v52, v9;
	v6 =	vadd.f32 $-4.998255070e-01, v6;
	v9 =	vmul.f32 v10, v29  }
0xa3: {  	v0 =	vadd.f32 v3, v0;
	v1 =	vadd.f32 v5, v1  }
0xa4: {  	v5 =	vsub.f32 v55, v58;
	v59 =	vmul.f32 v6, v26;
	v60 =	vadd.f32 $9.999936220e-01, v9  }
0xa5: {  	v61 =	vmax.f32 v4, $0.0e+00;
	v3 =	vsub.f32 v52, v57;
	v0 =	vadd.f32 v0, v2  }
0xa6: {  	v5 =	vmul.f32 v5, v8;
	v2 =	vadd.f32 $9.999936220e-01, v59;
	v6 =	vmul.f32 v60, v29  }
0xa7: {  	v7 =	vadd.f32 v38, v7;
	v3 =	vmul.f32 v3, v4;
	v9 =	vmax.f32 v8, $0.0e+00  }
0xa8: {  	s29 =	sadd.s32 $0x1, s29;
	v2 =	vmul.f32 v2, v26;
	v5 =	vsub.f32 v9, v5;
	v6 =	vadd.f32 $3.910905380e-08, v6  }
0xa9: {  	p0 =	sne.s32 s29, $0x8;
	v0 =	vadd.f32 v1, v0;
	v3 =	vsub.f32 v61, v3  }
.Ltmp1:
0xaa: {  	v2 =	vadd.f32 $3.910905380e-08, v2;
	v62 =	vadd.f32 v6, v5;
	(pc) =	sbr.rel @p0 .LBB2_3-.Ltmp1, $3  }
0xab: {  	v63 =	vadd.f32 v55, v7  }
0xac: {  	v2 =	vadd.f32 v2, v3;
	v0 =	vadd.f32 v62, v0;
	_ =	sdelay $0x1  }
0xad: {  	v10 =	vadd.f32 v52, v63;
	v9 =	vadd.f32 v2, v0  }
0xae: {  	s23 =	sadd.s32 $0x1, s23  }
0xaf: {  	p0 =	sne.s32 s23, $0x5  }
.Ltmp2:
0xb0: {  	_ = 	snop;
	(pc) =	sbr.rel @p0 .LBB2_2-.Ltmp2, $1  }
0xb1: {  	_ =	sdelay $0x3  }
0xb2: {  	s22 =	sadd.s32 $0x1, s22  }
0xb3: {  	[tilespmem:$0x3000] =	vst v10;
	p0 =	sne.s32 s22, s14  }
.Ltmp3:
0xb4: {  	[tilespmem:$0x3080] =	vst v9;
	s0 =	simm.s32 $0x3000;
	(pc) =	sbr.rel @p0 .LBB2_1-.Ltmp3, $4  }
0xb5: {  	[hbm4b:s13+s5] =	stream.linear.scatter [tilespmem:s0], [sflag:$0x3], $0x100, $0x38;
	[tilespmem:$0x3100] =	vst v63  }
0xb6: {  	_ =	swait.ge [sflag:s21], $0x100  }
0xb7: {  	[sflag:s21] =	ssyncset.done $0x0  }
0xb8: {  	[sflag:s21] =	ssyncadd.s32 $0xFFFFFF00  }
0xb9: {  	_ =	sfence.sel $0x180000  }
0xba: {  	[bflag:$0x0] =	sbarrier.arrive $0xFFFF  }
0xbb: {  	_ =	strace $0x90000047  }
0xbc: {  	s0 =	stileid.u32;
	[bflag:$0x2] =	sbarrier.arrive $0xFFFF  }
0xbd: {  	p0 =	sne.s32 s0, $0x0;
	s0 =	rddreg [dreg:$0x3]  }
0xbe: {  	s0 =	sadd.s32 @!p0 $0x100000, s0  }
0xbf: {  	[sflag:s0] =	ssyncadd.tile.s32 @!p0 $0x1;
	_ =	shalt  }
.Lfunc_end2:
_tile_overlayer_lowered:
.L_overlay_start_2:
0xc0: {  	(tag) =	ssettag $0x2  }
0xc1: {  	s0 =	rddreg [dreg:$0x0];
	s2 =	stileid.u32  }
0xc2: {  	s1 =	rddreg [dreg:$0x1];
	p0 =	sne.s32 s2, $0x0  }
0xc3: {  	s3 =	rddreg [dreg:$0x2];
	[bflag:$0x3] =	sbarrier.arrive $0xFFFF;
	s2 =	simm.s32 @!p0 $0x1C03  }
0xc4: {  	[timem:s3], [sflag:s2] =	dma.local @!p0 [hbm:s0], s1  }
0xc5: {  	s0 =	simm.s32 @!p0 $0x3  }
0xc6: {  	_ =	swait.ge @!p0 [sflag:s0], s1  }
0xc7: {  	s1 =	ssub.s32 @!p0 $0x0, s1;
	[sflag:s0] =	ssyncset.done @!p0 $0x0  }
0xc8: {  	[sflag:s0] =	ssyncadd.s32 @!p0 s1  }
0xc9: {  	[bflag:$0x3] =	sbarrier.arrive $0xFFFF  }
0xca: {  	_ =	shalt  }

</sc_bundles>
